<compile_context>
chip_gen: v7x
topology: tpu7x:2x2x1
jax: 0.10.2.dev20260603
libtpu: 0.0.44.dev20260713+nightly
codegen_flags: <defaults>
</compile_context>

<pallas_src>
import functools

import jax
import jax.numpy as jnp
from jax import lax
from jax.experimental import pallas as pl
from jax.experimental.pallas import tpu as pltpu
from jax.experimental.pallas import tpu_sc as plsc

N = 100000
D = 128
S = 256
NC, NS = 2, 16
NW = NC * NS
CHUNK = 80
NCHUNKS = N // CHUNK
CHUNKS_PER_TILE = (NCHUNKS + NW - 1) // NW
ROWS_PER_TILE = S // NS

_MESH = plsc.VectorSubcoreMesh(core_axis_name="c", subcore_axis_name="s")


@functools.partial(
    pl.kernel,
    out_type=jax.ShapeDtypeStruct((NC, S, D), jnp.float32),
    mesh=_MESH,
    scratch_types=[
        pltpu.VMEM((CHUNK,), jnp.int32),
        pltpu.VMEM((CHUNK, D), jnp.float32),
        pltpu.VMEM((ROWS_PER_TILE, D), jnp.float32),
        pltpu.VMEM_SHARED((S, D), jnp.float32),
    ],
)
def _segment_sum(h_hbm, idx_hbm, out_hbm, idx_v, rows_v, zbuf_v, acc_sh):
    c = lax.axis_index("c")
    s = lax.axis_index("s")
    w = s * NC + c

    zero = jnp.zeros((16,), jnp.float32)

    @pl.loop(0, ROWS_PER_TILE)
    def _zero_row(r):
        for j in range(D // 16):
            zbuf_v[r, pl.ds(j * 16, 16)] = zero

    pltpu.sync_copy(zbuf_v, acc_sh.at[pl.ds(s * ROWS_PER_TILE, ROWS_PER_TILE)])
    plsc.subcore_barrier()

    @pl.loop(0, CHUNKS_PER_TILE)
    def _chunk(i):
        g = w + NW * i

        @pl.when(g < NCHUNKS)
        def _():
            base = g * CHUNK
            pltpu.sync_copy(idx_hbm.at[pl.ds(base, CHUNK)], idx_v)
            pltpu.sync_copy(h_hbm.at[pl.ds(base, CHUNK)], rows_v)
            pltpu.sync_copy(rows_v, acc_sh.at[idx_v], add=True)

    plsc.subcore_barrier()
    pltpu.sync_copy(
        acc_sh.at[pl.ds(s * ROWS_PER_TILE, ROWS_PER_TILE)],
        out_hbm.at[c, pl.ds(s * ROWS_PER_TILE, ROWS_PER_TILE)],
    )


def _linear_relu_body(p_ref, w_ref, b_ref, o_ref):
    sums = p_ref[0] + p_ref[1]
    acc = lax.dot_general(
        sums,
        w_ref[...],
        (((1,), (1,)), ((), ())),
        preferred_element_type=jnp.float32,
        precision=lax.Precision.HIGHEST,
    )
    o_ref[...] = jnp.maximum(acc + b_ref[...], 0.0)


@functools.partial(
    pl.kernel,
    out_type=jax.ShapeDtypeStruct((N, D), jnp.float32),
    mesh=_MESH,
    scratch_types=[
        pltpu.VMEM((CHUNK,), jnp.int32),
        pltpu.VMEM((CHUNK, D), jnp.float32),
        pltpu.VMEM((CHUNK, D), jnp.float32),
        pltpu.VMEM_SHARED((S, D), jnp.float32),
    ],
)
def _broadcast_add(h_hbm, idx_hbm, hg_hbm, out_hbm, idx_v, hrows_v, grows_v, hg_sh):
    c = lax.axis_index("c")
    s = lax.axis_index("s")
    w = s * NC + c

    stage = pl.ds(s * ROWS_PER_TILE, ROWS_PER_TILE)
    pltpu.sync_copy(hg_hbm.at[stage], grows_v.at[pl.ds(0, ROWS_PER_TILE)])
    pltpu.sync_copy(grows_v.at[pl.ds(0, ROWS_PER_TILE)], hg_sh.at[stage])
    plsc.subcore_barrier()

    @pl.loop(0, CHUNKS_PER_TILE)
    def _chunk(i):
        g = w + NW * i

        @pl.when(g < NCHUNKS)
        def _():
            base = g * CHUNK
            pltpu.sync_copy(idx_hbm.at[pl.ds(base, CHUNK)], idx_v)
            pltpu.sync_copy(h_hbm.at[pl.ds(base, CHUNK)], hrows_v)
            pltpu.sync_copy(hg_sh.at[idx_v], grows_v)

            @pl.loop(0, CHUNK)
            def _row(r):
                for j in range(D // 16):
                    sl = pl.ds(j * 16, 16)
                    grows_v[r, sl] = grows_v[r, sl] + hrows_v[r, sl]

            pltpu.sync_copy(grows_v, out_hbm.at[pl.ds(base, CHUNK)])


def kernel(h, batch_idx, W, b):
    idx = batch_idx.astype(jnp.int32)
    partials = _segment_sum(h, idx)
    h_G = pl.pallas_call(
        _linear_relu_body,
        out_shape=jax.ShapeDtypeStruct((S, D), jnp.float32),
    )(partials, W, b.reshape(1, D))
    return _broadcast_add(h, idx, h_G)

# --- scband reference (transcript-rebuilt; emitter-appended) ---
"""Pipeline reference for scband-virtual-node-309237645702 (READ-ONLY COPY).

The authoritative reference and input builder live on the scoring server;
editing this copy changes nothing except your own understanding.
"""

import jax, jax.numpy as jnp
import numpy as np

NUM_SEGMENTS = 256

def setup_inputs(seed: int = 0) -> dict:
    key = jax.random.key(seed)
    k1, k2, k3, k4 = jax.random.split(key, 4)
    h = jax.random.normal(k1, (100000, 128), dtype=jnp.float32)
    batch_idx = jnp.sort(jax.random.randint(k2, (100000,), 0, NUM_SEGMENTS, dtype=jnp.int64))
    # Linear(V_dim_in=128 -> V_dim_out=128) parameters
    W = jax.random.normal(k3, (128, 128), dtype=jnp.float32) * (1.0 / np.sqrt(128.0))
    b = jax.random.normal(k4, (128,), dtype=jnp.float32) * 0.01
    return {"h": h, "batch_idx": batch_idx, "W": W, "b": b}

def reference(h, batch_idx, W, b):
    # SparseSumPooling: segment-sum node features by graph id
    sum_features = jax.ops.segment_sum(h, batch_idx, num_segments=NUM_SEGMENTS)
    # V = Linear + ReLU
    h_G = jax.nn.relu(sum_features @ W.T + b)
    # broadcast virtual-node feature back to each node and add residual
    h_v = jnp.take(h_G, batch_idx, axis=0) + h
    return h_v

if __name__ == "__main__":
    import jax
    _d = setup_inputs()
    print(jax.jit(kernel)(*tuple(_d.values())))

</pallas_src>

<mosaic_0001>
#map = affine_map<(d0, d1) -> (0, 0)>
#map1 = affine_map<(d0, d1) -> (0)>
module attributes {stable_mosaic.version = 14 : i64} {
  func.func @_broadcast_add(%arg0: i32, %arg1: i32, %arg2: memref<100000x128xf32, #tpu.memory_space<hbm>>, %arg3: memref<100000xi32, #tpu.memory_space<hbm>>, %arg4: memref<256x128xf32, #tpu.memory_space<hbm>>, %arg5: memref<100000x128xf32, #tpu.memory_space<hbm>>, %arg6: memref<80xi32, #tpu.memory_space<vmem>>, %arg7: memref<80x128xf32, #tpu.memory_space<vmem>>, %arg8: memref<80x128xf32, #tpu.memory_space<vmem>>, %arg9: memref<256x128xf32, #tpu.memory_space<vmem_shared>>) attributes {dimension_semantics = [#tpu.dimension_semantics<core_parallel>, #tpu.dimension_semantics<subcore_parallel>], iteration_bounds = array<i64: 2, 16>, scalar_prefetch = 0 : i64, scratch_operands = 4 : i64, tpu.core_type = #tpu.core_type<sc_vector_subcore>, window_params = [{transform_indices = #map}, {transform_indices = #map1}, {transform_indices = #map}, {transform_indices = #map}]} {
    %mul3A = arith.constant 2 : i32
    %mul3A_0 = arith.muli %arg1, %mul3A : i32
    %add3A = arith.addi %mul3A_0, %arg0 : i32
    %mul3A_1 = arith.constant 16 : i32
    %mul3A_2 = arith.muli %arg1, %mul3A_1 : i32
    "tpu.region"() ({
      %run_scoped3A = tpu.sem_alloc : memref<!tpu.dma_semaphore, #tpu.memory_space<semaphore_mem>>
      %dma_start3A = arith.constant 0 : i32
      %dma_start3A_7 = arith.constant 0 : i32
      %dma_start3A_8 = tpu.memref_slice %arg8[%dma_start3A, %dma_start3A_7] : memref<80x128xf32, #tpu.memory_space<vmem>> -> memref<16x128xf32, #tpu.memory_space<vmem>>
      %dma_start3A_9 = arith.constant 0 : i32
      %dma_start3A_10 = tpu.memref_slice %arg4[%mul3A_2, %dma_start3A_9] : memref<256x128xf32, #tpu.memory_space<hbm>> -> memref<16x128xf32, #tpu.memory_space<hbm>>
      %dma_start3A_11 = arith.constant 0 : i32
      %dma_start3A_12 = arith.constant 0 : i32
      %dma_start3A_13 = tpu.memref_slice %arg8[%dma_start3A_11, %dma_start3A_12] : memref<80x128xf32, #tpu.memory_space<vmem>> -> memref<16x128xf32, #tpu.memory_space<vmem>>
      %dma_start3A_14 = arith.constant 0 : i32
      %dma_start3A_15 = tpu.memref_slice %arg4[%mul3A_2, %dma_start3A_14] : memref<256x128xf32, #tpu.memory_space<hbm>> -> memref<16x128xf32, #tpu.memory_space<hbm>>
      tpu.enqueue_dma source(%dma_start3A_15 : memref<16x128xf32, #tpu.memory_space<hbm>>) target(%dma_start3A_13 : memref<16x128xf32, #tpu.memory_space<vmem>>) target_semaphore(%run_scoped3A : memref<!tpu.dma_semaphore, #tpu.memory_space<semaphore_mem>>)
      %dma_wait3A = arith.constant 0 : i32
      %dma_wait3A_16 = arith.constant 0 : i32
      %dma_wait3A_17 = tpu.memref_slice %arg8[%dma_wait3A, %dma_wait3A_16] : memref<80x128xf32, #tpu.memory_space<vmem>> -> memref<16x128xf32, #tpu.memory_space<vmem>>
      %dma_wait3A_18 = arith.constant 0 : i32
      %dma_wait3A_19 = tpu.memref_slice %arg4[%mul3A_2, %dma_wait3A_18] : memref<256x128xf32, #tpu.memory_space<hbm>> -> memref<16x128xf32, #tpu.memory_space<hbm>>
      %dma_wait3A_20 = arith.constant 0 : i32
      %dma_wait3A_21 = arith.constant 0 : i32
      %dma_wait3A_22 = tpu.memref_slice %arg8[%dma_wait3A_20, %dma_wait3A_21] : memref<80x128xf32, #tpu.memory_space<vmem>> -> memref<16x128xf32, #tpu.memory_space<vmem>>
      %dma_wait3A_23 = arith.constant 0 : i32
      %dma_wait3A_24 = tpu.memref_slice %arg4[%mul3A_2, %dma_wait3A_23] : memref<256x128xf32, #tpu.memory_space<hbm>> -> memref<16x128xf32, #tpu.memory_space<hbm>>
      tpu.wait_dma2 semaphore(%run_scoped3A : memref<!tpu.dma_semaphore, #tpu.memory_space<semaphore_mem>>) src(%dma_wait3A_24 : memref<16x128xf32, #tpu.memory_space<hbm>>) dst(%dma_wait3A_22 : memref<16x128xf32, #tpu.memory_space<vmem>>)
      tpu.yield
    }) : () -> ()
    "tpu.region"() ({
      %run_scoped3A = tpu.sem_alloc : memref<!tpu.dma_semaphore, #tpu.memory_space<semaphore_mem>>
      %dma_start3A = arith.constant 0 : i32
      %dma_start3A_7 = arith.constant 0 : i32
      %dma_start3A_8 = tpu.memref_slice %arg8[%dma_start3A, %dma_start3A_7] : memref<80x128xf32, #tpu.memory_space<vmem>> -> memref<16x128xf32, #tpu.memory_space<vmem>>
      %dma_start3A_9 = arith.constant 0 : i32
      %dma_start3A_10 = tpu.memref_slice %arg9[%mul3A_2, %dma_start3A_9] : memref<256x128xf32, #tpu.memory_space<vmem_shared>> -> memref<16x128xf32, #tpu.memory_space<vmem_shared>>
      %dma_start3A_11 = arith.constant 0 : i32
      %dma_start3A_12 = tpu.memref_slice %arg9[%mul3A_2, %dma_start3A_11] : memref<256x128xf32, #tpu.memory_space<vmem_shared>> -> memref<16x128xf32, #tpu.memory_space<vmem_shared>>
      %dma_start3A_13 = arith.constant 0 : i32
      %dma_start3A_14 = arith.constant 0 : i32
      %dma_start3A_15 = tpu.memref_slice %arg8[%dma_start3A_13, %dma_start3A_14] : memref<80x128xf32, #tpu.memory_space<vmem>> -> memref<16x128xf32, #tpu.memory_space<vmem>>
      tpu.enqueue_dma source(%dma_start3A_15 : memref<16x128xf32, #tpu.memory_space<vmem>>) target(%dma_start3A_12 : memref<16x128xf32, #tpu.memory_space<vmem_shared>>) target_semaphore(%run_scoped3A : memref<!tpu.dma_semaphore, #tpu.memory_space<semaphore_mem>>)
      %dma_wait3A = arith.constant 0 : i32
      %dma_wait3A_16 = arith.constant 0 : i32
      %dma_wait3A_17 = tpu.memref_slice %arg8[%dma_wait3A, %dma_wait3A_16] : memref<80x128xf32, #tpu.memory_space<vmem>> -> memref<16x128xf32, #tpu.memory_space<vmem>>
      %dma_wait3A_18 = arith.constant 0 : i32
      %dma_wait3A_19 = tpu.memref_slice %arg9[%mul3A_2, %dma_wait3A_18] : memref<256x128xf32, #tpu.memory_space<vmem_shared>> -> memref<16x128xf32, #tpu.memory_space<vmem_shared>>
      %dma_wait3A_20 = arith.constant 0 : i32
      %dma_wait3A_21 = tpu.memref_slice %arg9[%mul3A_2, %dma_wait3A_20] : memref<256x128xf32, #tpu.memory_space<vmem_shared>> -> memref<16x128xf32, #tpu.memory_space<vmem_shared>>
      %dma_wait3A_22 = arith.constant 0 : i32
      %dma_wait3A_23 = arith.constant 0 : i32
      %dma_wait3A_24 = tpu.memref_slice %arg8[%dma_wait3A_22, %dma_wait3A_23] : memref<80x128xf32, #tpu.memory_space<vmem>> -> memref<16x128xf32, #tpu.memory_space<vmem>>
      tpu.wait_dma2 semaphore(%run_scoped3A : memref<!tpu.dma_semaphore, #tpu.memory_space<semaphore_mem>>) src(%dma_wait3A_24 : memref<16x128xf32, #tpu.memory_space<vmem>>) dst(%dma_wait3A_21 : memref<16x128xf32, #tpu.memory_space<vmem_shared>>)
      tpu.yield
    }) : () -> ()
    %barrier3A = arith.constant 0 : index
    tpu.barrier barrier_id(%barrier3A)
    %scan3A = arith.constant 0 : i32
    %scan3A_3 = arith.constant 40 : i32
    %scan3A_4 = arith.addi %scan3A, %scan3A_3 : i32
    %scan3A_5 = arith.constant 1 : i32
    scf.for %scan3A_7 = %scan3A to %scan3A_4 step %scan3A_5  : i32 {
      %mul3A_8 = arith.constant 1 : i32
      %mul3A_9 = arith.muli %scan3A_7, %mul3A_8 : i32
      %add3A_10 = arith.constant 0 : i32
      %add3A_11 = arith.addi %add3A_10, %mul3A_9 : i32
      %mul3A_12 = arith.constant 32 : i32
      %mul3A_13 = arith.muli %mul3A_12, %add3A_11 : i32
      %add3A_14 = arith.addi %add3A, %mul3A_13 : i32
      %lt3A = arith.constant 1250 : i32
      %lt3A_15 = arith.cmpi slt, %add3A_14, %lt3A : i32
      %convert_element_type3A = arith.extui %lt3A_15 : i1 to i32
      %cond3A = arith.constant 0 : i32
      %cond3A_16 = arith.cmpi ne, %convert_element_type3A, %cond3A : i32
      scf.if %cond3A_16 {
        %mul3A_17 = arith.constant 80 : i32
        %mul3A_18 = arith.muli %add3A_14, %mul3A_17 : i32
        "tpu.region"() ({
          %run_scoped3A = tpu.sem_alloc : memref<!tpu.dma_semaphore, #tpu.memory_space<semaphore_mem>>
          %dma_start3A = tpu.memref_slice %arg3[%mul3A_18] : memref<100000xi32, #tpu.memory_space<hbm>> -> memref<80xi32, #tpu.memory_space<hbm>>
          %dma_start3A_24 = tpu.memref_slice %arg3[%mul3A_18] : memref<100000xi32, #tpu.memory_space<hbm>> -> memref<80xi32, #tpu.memory_space<hbm>>
          tpu.enqueue_dma source(%dma_start3A_24 : memref<80xi32, #tpu.memory_space<hbm>>) target(%arg6 : memref<80xi32, #tpu.memory_space<vmem>>) target_semaphore(%run_scoped3A : memref<!tpu.dma_semaphore, #tpu.memory_space<semaphore_mem>>)
          %dma_wait3A = tpu.memref_slice %arg3[%mul3A_18] : memref<100000xi32, #tpu.memory_space<hbm>> -> memref<80xi32, #tpu.memory_space<hbm>>
          %dma_wait3A_25 = tpu.memref_slice %arg3[%mul3A_18] : memref<100000xi32, #tpu.memory_space<hbm>> -> memref<80xi32, #tpu.memory_space<hbm>>
          tpu.wait_dma2 semaphore(%run_scoped3A : memref<!tpu.dma_semaphore, #tpu.memory_space<semaphore_mem>>) src(%dma_wait3A_25 : memref<80xi32, #tpu.memory_space<hbm>>) dst(%arg6 : memref<80xi32, #tpu.memory_space<vmem>>)
          tpu.yield
        }) : () -> ()
        "tpu.region"() ({
          %run_scoped3A = tpu.sem_alloc : memref<!tpu.dma_semaphore, #tpu.memory_space<semaphore_mem>>
          %dma_start3A = arith.constant 0 : i32
          %dma_start3A_24 = tpu.memref_slice %arg2[%mul3A_18, %dma_start3A] : memref<100000x128xf32, #tpu.memory_space<hbm>> -> memref<80x128xf32, #tpu.memory_space<hbm>>
          %dma_start3A_25 = arith.constant 0 : i32
          %dma_start3A_26 = tpu.memref_slice %arg2[%mul3A_18, %dma_start3A_25] : memref<100000x128xf32, #tpu.memory_space<hbm>> -> memref<80x128xf32, #tpu.memory_space<hbm>>
          tpu.enqueue_dma source(%dma_start3A_26 : memref<80x128xf32, #tpu.memory_space<hbm>>) target(%arg7 : memref<80x128xf32, #tpu.memory_space<vmem>>) target_semaphore(%run_scoped3A : memref<!tpu.dma_semaphore, #tpu.memory_space<semaphore_mem>>)
          %dma_wait3A = arith.constant 0 : i32
          %dma_wait3A_27 = tpu.memref_slice %arg2[%mul3A_18, %dma_wait3A] : memref<100000x128xf32, #tpu.memory_space<hbm>> -> memref<80x128xf32, #tpu.memory_space<hbm>>
          %dma_wait3A_28 = arith.constant 0 : i32
          %dma_wait3A_29 = tpu.memref_slice %arg2[%mul3A_18, %dma_wait3A_28] : memref<100000x128xf32, #tpu.memory_space<hbm>> -> memref<80x128xf32, #tpu.memory_space<hbm>>
          tpu.wait_dma2 semaphore(%run_scoped3A : memref<!tpu.dma_semaphore, #tpu.memory_space<semaphore_mem>>) src(%dma_wait3A_29 : memref<80x128xf32, #tpu.memory_space<hbm>>) dst(%arg7 : memref<80x128xf32, #tpu.memory_space<vmem>>)
          tpu.yield
        }) : () -> ()
        "tpu.region"() ({
          %run_scoped3A = tpu.sem_alloc : memref<!tpu.dma_semaphore, #tpu.memory_space<semaphore_mem>>
          %dma_start3A = arith.constant 0 : i32
          %dma_start3A_24 = arith.constant 0 : i32
          %dma_start3A_25 = tpu.memref_slice %arg9[%dma_start3A, %dma_start3A_24] : memref<256x128xf32, #tpu.memory_space<vmem_shared>> -> memref<256x128xf32, #tpu.memory_space<vmem_shared>>
          tpu.enqueue_indirect_dma source(%dma_start3A_25 : memref<256x128xf32, #tpu.memory_space<vmem_shared>>) target(%arg8 : memref<80x128xf32, #tpu.memory_space<vmem>>) offsets(%arg6 : memref<80xi32, #tpu.memory_space<vmem>>) semaphore(%run_scoped3A : memref<!tpu.dma_semaphore, #tpu.memory_space<semaphore_mem>>)
          %dma_wait3A = arith.constant 0 : i32
          %dma_wait3A_26 = arith.constant 0 : i32
          %dma_wait3A_27 = tpu.memref_slice %arg9[%dma_wait3A, %dma_wait3A_26] : memref<256x128xf32, #tpu.memory_space<vmem_shared>> -> memref<256x128xf32, #tpu.memory_space<vmem_shared>>
          tpu.wait_indirect_dma semaphore(%run_scoped3A : memref<!tpu.dma_semaphore, #tpu.memory_space<semaphore_mem>>) src(%dma_wait3A_27 : memref<256x128xf32, #tpu.memory_space<vmem_shared>>) dst(%arg8 : memref<80x128xf32, #tpu.memory_space<vmem>>)
          tpu.yield
        }) : () -> ()
        %scan3A_19 = arith.constant 0 : i32
        %scan3A_20 = arith.constant 80 : i32
        %scan3A_21 = arith.addi %scan3A_19, %scan3A_20 : i32
        %scan3A_22 = arith.constant 1 : i32
        scf.for %scan3A_24 = %scan3A_19 to %scan3A_21 step %scan3A_22  : i32 {
          %mul3A_25 = arith.constant 1 : i32
          %mul3A_26 = arith.muli %scan3A_24, %mul3A_25 : i32
          %add3A_27 = arith.constant 0 : i32
          %add3A_28 = arith.addi %add3A_27, %mul3A_26 : i32
          %get3A = arith.index_cast %add3A_28 : i32 to index
          %get3A_29 = arith.constant 0 : index
          %get3A_30 = tpu.vector_load %arg8[%get3A, %get3A_29] {strides = array<i32>} : memref<80x128xf32, #tpu.memory_space<vmem>>, vector<1x16xf32>,
          %get3A_31 = vector.shape_cast %get3A_30 : vector<1x16xf32> to vector<16xf32>
          %get3A_32 = arith.index_cast %add3A_28 : i32 to index
          %get3A_33 = arith.constant 0 : index
          %get3A_34 = tpu.vector_load %arg7[%get3A_32, %get3A_33] {strides = array<i32>} : memref<80x128xf32, #tpu.memory_space<vmem>>, vector<1x16xf32>,
          %get3A_35 = vector.shape_cast %get3A_34 : vector<1x16xf32> to vector<16xf32>
          %add3A_36 = arith.addf %get3A_31, %get3A_35 : vector<16xf32>
          %swap3A = arith.index_cast %add3A_28 : i32 to index
          %swap3A_37 = arith.constant 0 : index
          %swap3A_38 = tpu.vector_load %arg8[%swap3A, %swap3A_37] {strides = array<i32>} : memref<80x128xf32, #tpu.memory_space<vmem>>, vector<1x16xf32>,
          %swap3A_39 = vector.shape_cast %swap3A_38 : vector<1x16xf32> to vector<16xf32>
          %swap3A_40 = vector.shape_cast %add3A_36 : vector<16xf32> to vector<1x16xf32>
          tpu.vector_store %arg8[%swap3A, %swap3A_37], %swap3A_40 {strides = array<i32>} : memref<80x128xf32, #tpu.memory_space<vmem>>, vector<1x16xf32>,
          %get3A_41 = arith.index_cast %add3A_28 : i32 to index
          %get3A_42 = arith.constant 16 : index
          %get3A_43 = tpu.vector_load %arg8[%get3A_41, %get3A_42] {strides = array<i32>} : memref<80x128xf32, #tpu.memory_space<vmem>>, vector<1x16xf32>,
          %get3A_44 = vector.shape_cast %get3A_43 : vector<1x16xf32> to vector<16xf32>
          %get3A_45 = arith.index_cast %add3A_28 : i32 to index
          %get3A_46 = arith.constant 16 : index
          %get3A_47 = tpu.vector_load %arg7[%get3A_45, %get3A_46] {strides = array<i32>} : memref<80x128xf32, #tpu.memory_space<vmem>>, vector<1x16xf32>,
          %get3A_48 = vector.shape_cast %get3A_47 : vector<1x16xf32> to vector<16xf32>
          %add3A_49 = arith.addf %get3A_44, %get3A_48 : vector<16xf32>
          %swap3A_50 = arith.index_cast %add3A_28 : i32 to index
          %swap3A_51 = arith.constant 16 : index
          %swap3A_52 = tpu.vector_load %arg8[%swap3A_50, %swap3A_51] {strides = array<i32>} : memref<80x128xf32, #tpu.memory_space<vmem>>, vector<1x16xf32>,
          %swap3A_53 = vector.shape_cast %swap3A_52 : vector<1x16xf32> to vector<16xf32>
          %swap3A_54 = vector.shape_cast %add3A_49 : vector<16xf32> to vector<1x16xf32>
          tpu.vector_store %arg8[%swap3A_50, %swap3A_51], %swap3A_54 {strides = array<i32>} : memref<80x128xf32, #tpu.memory_space<vmem>>, vector<1x16xf32>,
          %get3A_55 = arith.index_cast %add3A_28 : i32 to index
          %get3A_56 = arith.constant 32 : index
          %get3A_57 = tpu.vector_load %arg8[%get3A_55, %get3A_56] {strides = array<i32>} : memref<80x128xf32, #tpu.memory_space<vmem>>, vector<1x16xf32>,
          %get3A_58 = vector.shape_cast %get3A_57 : vector<1x16xf32> to vector<16xf32>
          %get3A_59 = arith.index_cast %add3A_28 : i32 to index
          %get3A_60 = arith.constant 32 : index
          %get3A_61 = tpu.vector_load %arg7[%get3A_59, %get3A_60] {strides = array<i32>} : memref<80x128xf32, #tpu.memory_space<vmem>>, vector<1x16xf32>,
          %get3A_62 = vector.shape_cast %get3A_61 : vector<1x16xf32> to vector<16xf32>
          %add3A_63 = arith.addf %get3A_58, %get3A_62 : vector<16xf32>
          %swap3A_64 = arith.index_cast %add3A_28 : i32 to index
          %swap3A_65 = arith.constant 32 : index
          %swap3A_66 = tpu.vector_load %arg8[%swap3A_64, %swap3A_65] {strides = array<i32>} : memref<80x128xf32, #tpu.memory_space<vmem>>, vector<1x16xf32>,
          %swap3A_67 = vector.shape_cast %swap3A_66 : vector<1x16xf32> to vector<16xf32>
          %swap3A_68 = vector.shape_cast %add3A_63 : vector<16xf32> to vector<1x16xf32>
          tpu.vector_store %arg8[%swap3A_64, %swap3A_65], %swap3A_68 {strides = array<i32>} : memref<80x128xf32, #tpu.memory_space<vmem>>, vector<1x16xf32>,
          %get3A_69 = arith.index_cast %add3A_28 : i32 to index
          %get3A_70 = arith.constant 48 : index
          %get3A_71 = tpu.vector_load %arg8[%get3A_69, %get3A_70] {strides = array<i32>} : memref<80x128xf32, #tpu.memory_space<vmem>>, vector<1x16xf32>,
          %get3A_72 = vector.shape_cast %get3A_71 : vector<1x16xf32> to vector<16xf32>
          %get3A_73 = arith.index_cast %add3A_28 : i32 to index
          %get3A_74 = arith.constant 48 : index
          %get3A_75 = tpu.vector_load %arg7[%get3A_73, %get3A_74] {strides = array<i32>} : memref<80x128xf32, #tpu.memory_space<vmem>>, vector<1x16xf32>,
          %get3A_76 = vector.shape_cast %get3A_75 : vector<1x16xf32> to vector<16xf32>
          %add3A_77 = arith.addf %get3A_72, %get3A_76 : vector<16xf32>
          %swap3A_78 = arith.index_cast %add3A_28 : i32 to index
          %swap3A_79 = arith.constant 48 : index
          %swap3A_80 = tpu.vector_load %arg8[%swap3A_78, %swap3A_79] {strides = array<i32>} : memref<80x128xf32, #tpu.memory_space<vmem>>, vector<1x16xf32>,
          %swap3A_81 = vector.shape_cast %swap3A_80 : vector<1x16xf32> to vector<16xf32>
          %swap3A_82 = vector.shape_cast %add3A_77 : vector<16xf32> to vector<1x16xf32>
          tpu.vector_store %arg8[%swap3A_78, %swap3A_79], %swap3A_82 {strides = array<i32>} : memref<80x128xf32, #tpu.memory_space<vmem>>, vector<1x16xf32>,
          %get3A_83 = arith.index_cast %add3A_28 : i32 to index
          %get3A_84 = arith.constant 64 : index
          %get3A_85 = tpu.vector_load %arg8[%get3A_83, %get3A_84] {strides = array<i32>} : memref<80x128xf32, #tpu.memory_space<vmem>>, vector<1x16xf32>,
          %get3A_86 = vector.shape_cast %get3A_85 : vector<1x16xf32> to vector<16xf32>
          %get3A_87 = arith.index_cast %add3A_28 : i32 to index
          %get3A_88 = arith.constant 64 : index
          %get3A_89 = tpu.vector_load %arg7[%get3A_87, %get3A_88] {strides = array<i32>} : memref<80x128xf32, #tpu.memory_space<vmem>>, vector<1x16xf32>,
          %get3A_90 = vector.shape_cast %get3A_89 : vector<1x16xf32> to vector<16xf32>
          %add3A_91 = arith.addf %get3A_86, %get3A_90 : vector<16xf32>
          %swap3A_92 = arith.index_cast %add3A_28 : i32 to index
          %swap3A_93 = arith.constant 64 : index
          %swap3A_94 = tpu.vector_load %arg8[%swap3A_92, %swap3A_93] {strides = array<i32>} : memref<80x128xf32, #tpu.memory_space<vmem>>, vector<1x16xf32>,
          %swap3A_95 = vector.shape_cast %swap3A_94 : vector<1x16xf32> to vector<16xf32>
          %swap3A_96 = vector.shape_cast %add3A_91 : vector<16xf32> to vector<1x16xf32>
          tpu.vector_store %arg8[%swap3A_92, %swap3A_93], %swap3A_96 {strides = array<i32>} : memref<80x128xf32, #tpu.memory_space<vmem>>, vector<1x16xf32>,
          %get3A_97 = arith.index_cast %add3A_28 : i32 to index
          %get3A_98 = arith.constant 80 : index
          %get3A_99 = tpu.vector_load %arg8[%get3A_97, %get3A_98] {strides = array<i32>} : memref<80x128xf32, #tpu.memory_space<vmem>>, vector<1x16xf32>,
          %get3A_100 = vector.shape_cast %get3A_99 : vector<1x16xf32> to vector<16xf32>
          %get3A_101 = arith.index_cast %add3A_28 : i32 to index
          %get3A_102 = arith.constant 80 : index
          %get3A_103 = tpu.vector_load %arg7[%get3A_101, %get3A_102] {strides = array<i32>} : memref<80x128xf32, #tpu.memory_space<vmem>>, vector<1x16xf32>,
          %get3A_104 = vector.shape_cast %get3A_103 : vector<1x16xf32> to vector<16xf32>
          %add3A_105 = arith.addf %get3A_100, %get3A_104 : vector<16xf32>
          %swap3A_106 = arith.index_cast %add3A_28 : i32 to index
          %swap3A_107 = arith.constant 80 : index
          %swap3A_108 = tpu.vector_load %arg8[%swap3A_106, %swap3A_107] {strides = array<i32>} : memref<80x128xf32, #tpu.memory_space<vmem>>, vector<1x16xf32>,
          %swap3A_109 = vector.shape_cast %swap3A_108 : vector<1x16xf32> to vector<16xf32>
          %swap3A_110 = vector.shape_cast %add3A_105 : vector<16xf32> to vector<1x16xf32>
          tpu.vector_store %arg8[%swap3A_106, %swap3A_107], %swap3A_110 {strides = array<i32>} : memref<80x128xf32, #tpu.memory_space<vmem>>, vector<1x16xf32>,
          %get3A_111 = arith.index_cast %add3A_28 : i32 to index
          %get3A_112 = arith.constant 96 : index
          %get3A_113 = tpu.vector_load %arg8[%get3A_111, %get3A_112] {strides = array<i32>} : memref<80x128xf32, #tpu.memory_space<vmem>>, vector<1x16xf32>,
          %get3A_114 = vector.shape_cast %get3A_113 : vector<1x16xf32> to vector<16xf32>
          %get3A_115 = arith.index_cast %add3A_28 : i32 to index
          %get3A_116 = arith.constant 96 : index
          %get3A_117 = tpu.vector_load %arg7[%get3A_115, %get3A_116] {strides = array<i32>} : memref<80x128xf32, #tpu.memory_space<vmem>>, vector<1x16xf32>,
          %get3A_118 = vector.shape_cast %get3A_117 : vector<1x16xf32> to vector<16xf32>
          %add3A_119 = arith.addf %get3A_114, %get3A_118 : vector<16xf32>
          %swap3A_120 = arith.index_cast %add3A_28 : i32 to index
          %swap3A_121 = arith.constant 96 : index
          %swap3A_122 = tpu.vector_load %arg8[%swap3A_120, %swap3A_121] {strides = array<i32>} : memref<80x128xf32, #tpu.memory_space<vmem>>, vector<1x16xf32>,
          %swap3A_123 = vector.shape_cast %swap3A_122 : vector<1x16xf32> to vector<16xf32>
          %swap3A_124 = vector.shape_cast %add3A_119 : vector<16xf32> to vector<1x16xf32>
          tpu.vector_store %arg8[%swap3A_120, %swap3A_121], %swap3A_124 {strides = array<i32>} : memref<80x128xf32, #tpu.memory_space<vmem>>, vector<1x16xf32>,
          %get3A_125 = arith.index_cast %add3A_28 : i32 to index
          %get3A_126 = arith.constant 112 : index
          %get3A_127 = tpu.vector_load %arg8[%get3A_125, %get3A_126] {strides = array<i32>} : memref<80x128xf32, #tpu.memory_space<vmem>>, vector<1x16xf32>,
          %get3A_128 = vector.shape_cast %get3A_127 : vector<1x16xf32> to vector<16xf32>
          %get3A_129 = arith.index_cast %add3A_28 : i32 to index
          %get3A_130 = arith.constant 112 : index
          %get3A_131 = tpu.vector_load %arg7[%get3A_129, %get3A_130] {strides = array<i32>} : memref<80x128xf32, #tpu.memory_space<vmem>>, vector<1x16xf32>,
          %get3A_132 = vector.shape_cast %get3A_131 : vector<1x16xf32> to vector<16xf32>
          %add3A_133 = arith.addf %get3A_128, %get3A_132 : vector<16xf32>
          %swap3A_134 = arith.index_cast %add3A_28 : i32 to index
          %swap3A_135 = arith.constant 112 : index
          %swap3A_136 = tpu.vector_load %arg8[%swap3A_134, %swap3A_135] {strides = array<i32>} : memref<80x128xf32, #tpu.memory_space<vmem>>, vector<1x16xf32>,
          %swap3A_137 = vector.shape_cast %swap3A_136 : vector<1x16xf32> to vector<16xf32>
          %swap3A_138 = vector.shape_cast %add3A_133 : vector<16xf32> to vector<1x16xf32>
          tpu.vector_store %arg8[%swap3A_134, %swap3A_135], %swap3A_138 {strides = array<i32>} : memref<80x128xf32, #tpu.memory_space<vmem>>, vector<1x16xf32>,
        }
        %scan3A_23 = arith.constant 80 : i32
        "tpu.region"() ({
          %run_scoped3A = tpu.sem_alloc : memref<!tpu.dma_semaphore, #tpu.memory_space<semaphore_mem>>
          %dma_start3A = arith.constant 0 : i32
          %dma_start3A_24 = tpu.memref_slice %arg5[%mul3A_18, %dma_start3A] : memref<100000x128xf32, #tpu.memory_space<hbm>> -> memref<80x128xf32, #tpu.memory_space<hbm>>
          %dma_start3A_25 = arith.constant 0 : i32
          %dma_start3A_26 = tpu.memref_slice %arg5[%mul3A_18, %dma_start3A_25] : memref<100000x128xf32, #tpu.memory_space<hbm>> -> memref<80x128xf32, #tpu.memory_space<hbm>>
          tpu.enqueue_dma source(%arg8 : memref<80x128xf32, #tpu.memory_space<vmem>>) target(%dma_start3A_26 : memref<80x128xf32, #tpu.memory_space<hbm>>) target_semaphore(%run_scoped3A : memref<!tpu.dma_semaphore, #tpu.memory_space<semaphore_mem>>)
          %dma_wait3A = arith.constant 0 : i32
          %dma_wait3A_27 = tpu.memref_slice %arg5[%mul3A_18, %dma_wait3A] : memref<100000x128xf32, #tpu.memory_space<hbm>> -> memref<80x128xf32, #tpu.memory_space<hbm>>
          %dma_wait3A_28 = arith.constant 0 : i32
          %dma_wait3A_29 = tpu.memref_slice %arg5[%mul3A_18, %dma_wait3A_28] : memref<100000x128xf32, #tpu.memory_space<hbm>> -> memref<80x128xf32, #tpu.memory_space<hbm>>
          tpu.wait_dma2 semaphore(%run_scoped3A : memref<!tpu.dma_semaphore, #tpu.memory_space<semaphore_mem>>) src(%arg8 : memref<80x128xf32, #tpu.memory_space<vmem>>) dst(%dma_wait3A_29 : memref<80x128xf32, #tpu.memory_space<hbm>>)
          tpu.yield
        }) : () -> ()
      } else {
      }
    }
    %scan3A_6 = arith.constant 40 : i32
    return
  }
}

#map = affine_map<(d0, d1) -> (0, 0)>
#map1 = affine_map<(d0, d1) -> (0)>
#map2 = affine_map<(d0, d1) -> (0, 0, 0)>
module attributes {stable_mosaic.version = 14 : i64} {
  func.func @_segment_sum(%arg0: i32, %arg1: i32, %arg2: memref<100000x128xf32, #tpu.memory_space<hbm>>, %arg3: memref<100000xi32, #tpu.memory_space<hbm>>, %arg4: memref<2x256x128xf32, #tpu.memory_space<hbm>>, %arg5: memref<80xi32, #tpu.memory_space<vmem>>, %arg6: memref<80x128xf32, #tpu.memory_space<vmem>>, %arg7: memref<16x128xf32, #tpu.memory_space<vmem>>, %arg8: memref<256x128xf32, #tpu.memory_space<vmem_shared>>) attributes {dimension_semantics = [#tpu.dimension_semantics<core_parallel>, #tpu.dimension_semantics<subcore_parallel>], iteration_bounds = array<i64: 2, 16>, scalar_prefetch = 0 : i64, scratch_operands = 4 : i64, tpu.core_type = #tpu.core_type<sc_vector_subcore>, window_params = [{transform_indices = #map}, {transform_indices = #map1}, {transform_indices = #map2}]} {
    %mul3A = arith.constant 2 : i32
    %mul3A_0 = arith.muli %arg1, %mul3A : i32
    %add3A = arith.addi %mul3A_0, %arg0 : i32
    %broadcast_in_dim3A = arith.constant 0.000000e+00 : f32
    %broadcast_in_dim3A_1 = vector.broadcast %broadcast_in_dim3A : f32 to vector<16xf32>
    %scan3A = arith.constant 0 : i32
    %scan3A_2 = arith.constant 16 : i32
    %scan3A_3 = arith.addi %scan3A, %scan3A_2 : i32
    %scan3A_4 = arith.constant 1 : i32
    scf.for %scan3A_18 = %scan3A to %scan3A_3 step %scan3A_4  : i32 {
      %mul3A_19 = arith.constant 1 : i32
      %mul3A_20 = arith.muli %scan3A_18, %mul3A_19 : i32
      %add3A_21 = arith.constant 0 : i32
      %add3A_22 = arith.addi %add3A_21, %mul3A_20 : i32
      %swap3A = arith.index_cast %add3A_22 : i32 to index
      %swap3A_23 = arith.constant 0 : index
      %swap3A_24 = tpu.vector_load %arg7[%swap3A, %swap3A_23] {strides = array<i32>} : memref<16x128xf32, #tpu.memory_space<vmem>>, vector<1x16xf32>,
      %swap3A_25 = vector.shape_cast %swap3A_24 : vector<1x16xf32> to vector<16xf32>
      %swap3A_26 = vector.shape_cast %broadcast_in_dim3A_1 : vector<16xf32> to vector<1x16xf32>
      tpu.vector_store %arg7[%swap3A, %swap3A_23], %swap3A_26 {strides = array<i32>} : memref<16x128xf32, #tpu.memory_space<vmem>>, vector<1x16xf32>,
      %swap3A_27 = arith.index_cast %add3A_22 : i32 to index
      %swap3A_28 = arith.constant 16 : index
      %swap3A_29 = tpu.vector_load %arg7[%swap3A_27, %swap3A_28] {strides = array<i32>} : memref<16x128xf32, #tpu.memory_space<vmem>>, vector<1x16xf32>,
      %swap3A_30 = vector.shape_cast %swap3A_29 : vector<1x16xf32> to vector<16xf32>
      %swap3A_31 = vector.shape_cast %broadcast_in_dim3A_1 : vector<16xf32> to vector<1x16xf32>
      tpu.vector_store %arg7[%swap3A_27, %swap3A_28], %swap3A_31 {strides = array<i32>} : memref<16x128xf32, #tpu.memory_space<vmem>>, vector<1x16xf32>,
      %swap3A_32 = arith.index_cast %add3A_22 : i32 to index
      %swap3A_33 = arith.constant 32 : index
      %swap3A_34 = tpu.vector_load %arg7[%swap3A_32, %swap3A_33] {strides = array<i32>} : memref<16x128xf32, #tpu.memory_space<vmem>>, vector<1x16xf32>,
      %swap3A_35 = vector.shape_cast %swap3A_34 : vector<1x16xf32> to vector<16xf32>
      %swap3A_36 = vector.shape_cast %broadcast_in_dim3A_1 : vector<16xf32> to vector<1x16xf32>
      tpu.vector_store %arg7[%swap3A_32, %swap3A_33], %swap3A_36 {strides = array<i32>} : memref<16x128xf32, #tpu.memory_space<vmem>>, vector<1x16xf32>,
      %swap3A_37 = arith.index_cast %add3A_22 : i32 to index
      %swap3A_38 = arith.constant 48 : index
      %swap3A_39 = tpu.vector_load %arg7[%swap3A_37, %swap3A_38] {strides = array<i32>} : memref<16x128xf32, #tpu.memory_space<vmem>>, vector<1x16xf32>,
      %swap3A_40 = vector.shape_cast %swap3A_39 : vector<1x16xf32> to vector<16xf32>
      %swap3A_41 = vector.shape_cast %broadcast_in_dim3A_1 : vector<16xf32> to vector<1x16xf32>
      tpu.vector_store %arg7[%swap3A_37, %swap3A_38], %swap3A_41 {strides = array<i32>} : memref<16x128xf32, #tpu.memory_space<vmem>>, vector<1x16xf32>,
      %swap3A_42 = arith.index_cast %add3A_22 : i32 to index
      %swap3A_43 = arith.constant 64 : index
      %swap3A_44 = tpu.vector_load %arg7[%swap3A_42, %swap3A_43] {strides = array<i32>} : memref<16x128xf32, #tpu.memory_space<vmem>>, vector<1x16xf32>,
      %swap3A_45 = vector.shape_cast %swap3A_44 : vector<1x16xf32> to vector<16xf32>
      %swap3A_46 = vector.shape_cast %broadcast_in_dim3A_1 : vector<16xf32> to vector<1x16xf32>
      tpu.vector_store %arg7[%swap3A_42, %swap3A_43], %swap3A_46 {strides = array<i32>} : memref<16x128xf32, #tpu.memory_space<vmem>>, vector<1x16xf32>,
      %swap3A_47 = arith.index_cast %add3A_22 : i32 to index
      %swap3A_48 = arith.constant 80 : index
      %swap3A_49 = tpu.vector_load %arg7[%swap3A_47, %swap3A_48] {strides = array<i32>} : memref<16x128xf32, #tpu.memory_space<vmem>>, vector<1x16xf32>,
      %swap3A_50 = vector.shape_cast %swap3A_49 : vector<1x16xf32> to vector<16xf32>
      %swap3A_51 = vector.shape_cast %broadcast_in_dim3A_1 : vector<16xf32> to vector<1x16xf32>
      tpu.vector_store %arg7[%swap3A_47, %swap3A_48], %swap3A_51 {strides = array<i32>} : memref<16x128xf32, #tpu.memory_space<vmem>>, vector<1x16xf32>,
      %swap3A_52 = arith.index_cast %add3A_22 : i32 to index
      %swap3A_53 = arith.constant 96 : index
      %swap3A_54 = tpu.vector_load %arg7[%swap3A_52, %swap3A_53] {strides = array<i32>} : memref<16x128xf32, #tpu.memory_space<vmem>>, vector<1x16xf32>,
      %swap3A_55 = vector.shape_cast %swap3A_54 : vector<1x16xf32> to vector<16xf32>
      %swap3A_56 = vector.shape_cast %broadcast_in_dim3A_1 : vector<16xf32> to vector<1x16xf32>
      tpu.vector_store %arg7[%swap3A_52, %swap3A_53], %swap3A_56 {strides = array<i32>} : memref<16x128xf32, #tpu.memory_space<vmem>>, vector<1x16xf32>,
      %swap3A_57 = arith.index_cast %add3A_22 : i32 to index
      %swap3A_58 = arith.constant 112 : index
      %swap3A_59 = tpu.vector_load %arg7[%swap3A_57, %swap3A_58] {strides = array<i32>} : memref<16x128xf32, #tpu.memory_space<vmem>>, vector<1x16xf32>,
      %swap3A_60 = vector.shape_cast %swap3A_59 : vector<1x16xf32> to vector<16xf32>
      %swap3A_61 = vector.shape_cast %broadcast_in_dim3A_1 : vector<16xf32> to vector<1x16xf32>
      tpu.vector_store %arg7[%swap3A_57, %swap3A_58], %swap3A_61 {strides = array<i32>} : memref<16x128xf32, #tpu.memory_space<vmem>>, vector<1x16xf32>,
    }
    %scan3A_5 = arith.constant 16 : i32
    %mul3A_6 = arith.constant 16 : i32
    %mul3A_7 = arith.muli %arg1, %mul3A_6 : i32
    "tpu.region"() ({
      %run_scoped3A = tpu.sem_alloc : memref<!tpu.dma_semaphore, #tpu.memory_space<semaphore_mem>>
      %dma_start3A = arith.constant 0 : i32
      %dma_start3A_18 = tpu.memref_slice %arg8[%mul3A_7, %dma_start3A] : memref<256x128xf32, #tpu.memory_space<vmem_shared>> -> memref<16x128xf32, #tpu.memory_space<vmem_shared>>
      %dma_start3A_19 = arith.constant 0 : i32
      %dma_start3A_20 = tpu.memref_slice %arg8[%mul3A_7, %dma_start3A_19] : memref<256x128xf32, #tpu.memory_space<vmem_shared>> -> memref<16x128xf32, #tpu.memory_space<vmem_shared>>
      tpu.enqueue_dma source(%arg7 : memref<16x128xf32, #tpu.memory_space<vmem>>) target(%dma_start3A_20 : memref<16x128xf32, #tpu.memory_space<vmem_shared>>) target_semaphore(%run_scoped3A : memref<!tpu.dma_semaphore, #tpu.memory_space<semaphore_mem>>)
      %dma_wait3A = arith.constant 0 : i32
      %dma_wait3A_21 = tpu.memref_slice %arg8[%mul3A_7, %dma_wait3A] : memref<256x128xf32, #tpu.memory_space<vmem_shared>> -> memref<16x128xf32, #tpu.memory_space<vmem_shared>>
      %dma_wait3A_22 = arith.constant 0 : i32
      %dma_wait3A_23 = tpu.memref_slice %arg8[%mul3A_7, %dma_wait3A_22] : memref<256x128xf32, #tpu.memory_space<vmem_shared>> -> memref<16x128xf32, #tpu.memory_space<vmem_shared>>
      tpu.wait_dma2 semaphore(%run_scoped3A : memref<!tpu.dma_semaphore, #tpu.memory_space<semaphore_mem>>) src(%arg7 : memref<16x128xf32, #tpu.memory_space<vmem>>) dst(%dma_wait3A_23 : memref<16x128xf32, #tpu.memory_space<vmem_shared>>)
      tpu.yield
    }) : () -> ()
    %barrier3A = arith.constant 0 : index
    tpu.barrier barrier_id(%barrier3A)
    %scan3A_8 = arith.constant 0 : i32
    %scan3A_9 = arith.constant 40 : i32
    %scan3A_10 = arith.addi %scan3A_8, %scan3A_9 : i32
    %scan3A_11 = arith.constant 1 : i32
    scf.for %scan3A_18 = %scan3A_8 to %scan3A_10 step %scan3A_11  : i32 {
      %mul3A_19 = arith.constant 1 : i32
      %mul3A_20 = arith.muli %scan3A_18, %mul3A_19 : i32
      %add3A_21 = arith.constant 0 : i32
      %add3A_22 = arith.addi %add3A_21, %mul3A_20 : i32
      %mul3A_23 = arith.constant 32 : i32
      %mul3A_24 = arith.muli %mul3A_23, %add3A_22 : i32
      %add3A_25 = arith.addi %add3A, %mul3A_24 : i32
      %lt3A = arith.constant 1250 : i32
      %lt3A_26 = arith.cmpi slt, %add3A_25, %lt3A : i32
      %convert_element_type3A = arith.extui %lt3A_26 : i1 to i32
      %cond3A = arith.constant 0 : i32
      %cond3A_27 = arith.cmpi ne, %convert_element_type3A, %cond3A : i32
      scf.if %cond3A_27 {
        %mul3A_28 = arith.constant 80 : i32
        %mul3A_29 = arith.muli %add3A_25, %mul3A_28 : i32
        "tpu.region"() ({
          %run_scoped3A = tpu.sem_alloc : memref<!tpu.dma_semaphore, #tpu.memory_space<semaphore_mem>>
          %dma_start3A = tpu.memref_slice %arg3[%mul3A_29] : memref<100000xi32, #tpu.memory_space<hbm>> -> memref<80xi32, #tpu.memory_space<hbm>>
          %dma_start3A_30 = tpu.memref_slice %arg3[%mul3A_29] : memref<100000xi32, #tpu.memory_space<hbm>> -> memref<80xi32, #tpu.memory_space<hbm>>
          tpu.enqueue_dma source(%dma_start3A_30 : memref<80xi32, #tpu.memory_space<hbm>>) target(%arg5 : memref<80xi32, #tpu.memory_space<vmem>>) target_semaphore(%run_scoped3A : memref<!tpu.dma_semaphore, #tpu.memory_space<semaphore_mem>>)
          %dma_wait3A = tpu.memref_slice %arg3[%mul3A_29] : memref<100000xi32, #tpu.memory_space<hbm>> -> memref<80xi32, #tpu.memory_space<hbm>>
          %dma_wait3A_31 = tpu.memref_slice %arg3[%mul3A_29] : memref<100000xi32, #tpu.memory_space<hbm>> -> memref<80xi32, #tpu.memory_space<hbm>>
          tpu.wait_dma2 semaphore(%run_scoped3A : memref<!tpu.dma_semaphore, #tpu.memory_space<semaphore_mem>>) src(%dma_wait3A_31 : memref<80xi32, #tpu.memory_space<hbm>>) dst(%arg5 : memref<80xi32, #tpu.memory_space<vmem>>)
          tpu.yield
        }) : () -> ()
        "tpu.region"() ({
          %run_scoped3A = tpu.sem_alloc : memref<!tpu.dma_semaphore, #tpu.memory_space<semaphore_mem>>
          %dma_start3A = arith.constant 0 : i32
          %dma_start3A_30 = tpu.memref_slice %arg2[%mul3A_29, %dma_start3A] : memref<100000x128xf32, #tpu.memory_space<hbm>> -> memref<80x128xf32, #tpu.memory_space<hbm>>
          %dma_start3A_31 = arith.constant 0 : i32
          %dma_start3A_32 = tpu.memref_slice %arg2[%mul3A_29, %dma_start3A_31] : memref<100000x128xf32, #tpu.memory_space<hbm>> -> memref<80x128xf32, #tpu.memory_space<hbm>>
          tpu.enqueue_dma source(%dma_start3A_32 : memref<80x128xf32, #tpu.memory_space<hbm>>) target(%arg6 : memref<80x128xf32, #tpu.memory_space<vmem>>) target_semaphore(%run_scoped3A : memref<!tpu.dma_semaphore, #tpu.memory_space<semaphore_mem>>)
          %dma_wait3A = arith.constant 0 : i32
          %dma_wait3A_33 = tpu.memref_slice %arg2[%mul3A_29, %dma_wait3A] : memref<100000x128xf32, #tpu.memory_space<hbm>> -> memref<80x128xf32, #tpu.memory_space<hbm>>
          %dma_wait3A_34 = arith.constant 0 : i32
          %dma_wait3A_35 = tpu.memref_slice %arg2[%mul3A_29, %dma_wait3A_34] : memref<100000x128xf32, #tpu.memory_space<hbm>> -> memref<80x128xf32, #tpu.memory_space<hbm>>
          tpu.wait_dma2 semaphore(%run_scoped3A : memref<!tpu.dma_semaphore, #tpu.memory_space<semaphore_mem>>) src(%dma_wait3A_35 : memref<80x128xf32, #tpu.memory_space<hbm>>) dst(%arg6 : memref<80x128xf32, #tpu.memory_space<vmem>>)
          tpu.yield
        }) : () -> ()
        "tpu.region"() ({
          %run_scoped3A = tpu.sem_alloc : memref<!tpu.dma_semaphore, #tpu.memory_space<semaphore_mem>>
          %dma_start3A = arith.constant 0 : i32
          %dma_start3A_30 = arith.constant 0 : i32
          %dma_start3A_31 = tpu.memref_slice %arg8[%dma_start3A, %dma_start3A_30] : memref<256x128xf32, #tpu.memory_space<vmem_shared>> -> memref<256x128xf32, #tpu.memory_space<vmem_shared>>
          tpu.enqueue_indirect_dma source(%arg6 : memref<80x128xf32, #tpu.memory_space<vmem>>) target(%dma_start3A_31 : memref<256x128xf32, #tpu.memory_space<vmem_shared>>) offsets(%arg5 : memref<80xi32, #tpu.memory_space<vmem>>) semaphore(%run_scoped3A : memref<!tpu.dma_semaphore, #tpu.memory_space<semaphore_mem>>) {add = true}
          %dma_wait3A = arith.constant 0 : i32
          %dma_wait3A_32 = arith.constant 0 : i32
          %dma_wait3A_33 = tpu.memref_slice %arg8[%dma_wait3A, %dma_wait3A_32] : memref<256x128xf32, #tpu.memory_space<vmem_shared>> -> memref<256x128xf32, #tpu.memory_space<vmem_shared>>
          tpu.wait_indirect_dma semaphore(%run_scoped3A : memref<!tpu.dma_semaphore, #tpu.memory_space<semaphore_mem>>) src(%arg6 : memref<80x128xf32, #tpu.memory_space<vmem>>) dst(%dma_wait3A_33 : memref<256x128xf32, #tpu.memory_space<vmem_shared>>)
          tpu.yield
        }) : () -> ()
      } else {
      }
    }
    %scan3A_12 = arith.constant 40 : i32
    %barrier3A_13 = arith.constant 0 : index
    tpu.barrier barrier_id(%barrier3A_13)
    %mul3A_14 = arith.constant 16 : i32
    %mul3A_15 = arith.muli %arg1, %mul3A_14 : i32
    %mul3A_16 = arith.constant 16 : i32
    %mul3A_17 = arith.muli %arg1, %mul3A_16 : i32
    "tpu.region"() ({
      %run_scoped3A = tpu.sem_alloc : memref<!tpu.dma_semaphore, #tpu.memory_space<semaphore_mem>>
      %dma_start3A = arith.constant 0 : i32
      %dma_start3A_18 = tpu.memref_slice %arg4[%arg0, %mul3A_17, %dma_start3A] : memref<2x256x128xf32, #tpu.memory_space<hbm>> -> memref<1x16x128xf32, #tpu.memory_space<hbm>>
      %dma_start3A_19 = tpu.memref_squeeze %dma_start3A_18 : memref<1x16x128xf32, #tpu.memory_space<hbm>> -> memref<16x128xf32, #tpu.memory_space<hbm>>
      %dma_start3A_20 = arith.constant 0 : i32
      %dma_start3A_21 = tpu.memref_slice %arg8[%mul3A_15, %dma_start3A_20] : memref<256x128xf32, #tpu.memory_space<vmem_shared>> -> memref<16x128xf32, #tpu.memory_space<vmem_shared>>
      tpu.enqueue_dma source(%dma_start3A_21 : memref<16x128xf32, #tpu.memory_space<vmem_shared>>) target(%dma_start3A_19 : memref<16x128xf32, #tpu.memory_space<hbm>>) target_semaphore(%run_scoped3A : memref<!tpu.dma_semaphore, #tpu.memory_space<semaphore_mem>>)
      %dma_wait3A = arith.constant 0 : i32
      %dma_wait3A_22 = tpu.memref_slice %arg4[%arg0, %mul3A_17, %dma_wait3A] : memref<2x256x128xf32, #tpu.memory_space<hbm>> -> memref<1x16x128xf32, #tpu.memory_space<hbm>>
      %dma_wait3A_23 = tpu.memref_squeeze %dma_wait3A_22 : memref<1x16x128xf32, #tpu.memory_space<hbm>> -> memref<16x128xf32, #tpu.memory_space<hbm>>
      %dma_wait3A_24 = arith.constant 0 : i32
      %dma_wait3A_25 = tpu.memref_slice %arg8[%mul3A_15, %dma_wait3A_24] : memref<256x128xf32, #tpu.memory_space<vmem_shared>> -> memref<16x128xf32, #tpu.memory_space<vmem_shared>>
      tpu.wait_dma2 semaphore(%run_scoped3A : memref<!tpu.dma_semaphore, #tpu.memory_space<semaphore_mem>>) src(%dma_wait3A_25 : memref<16x128xf32, #tpu.memory_space<vmem_shared>>) dst(%dma_wait3A_23 : memref<16x128xf32, #tpu.memory_space<hbm>>)
      tpu.yield
    }) : () -> ()
    return
  }
}

module attributes {stable_mosaic.version = 14 : i64} {
  func.func @_linear_relu_body(%arg0: memref<2x256x128xf32, #tpu.memory_space<vmem>>, %arg1: memref<128x128xf32, #tpu.memory_space<vmem>>, %arg2: memref<1x128xf32, #tpu.memory_space<vmem>>, %arg3: memref<256x128xf32, #tpu.memory_space<vmem>>) attributes {dimension_semantics = [], scalar_prefetch = 0 : i64, scratch_operands = 0 : i64, tpu.core_type = #tpu.core_type<tc>} {
    %get3A = arith.constant 0 : index
    %get3A_0 = arith.constant 0 : index
    %get3A_1 = arith.constant 0 : index
    %get3A_2 = vector.load %arg0[%get3A, %get3A_0, %get3A_1] : memref<2x256x128xf32, #tpu.memory_space<vmem>>, vector<1x256x128xf32>
    %get3A_3 = vector.shape_cast %get3A_2 : vector<1x256x128xf32> to vector<256x128xf32>
    %get3A_4 = arith.constant 1 : index
    %get3A_5 = arith.constant 0 : index
    %get3A_6 = arith.constant 0 : index
    %get3A_7 = vector.load %arg0[%get3A_4, %get3A_5, %get3A_6] : memref<2x256x128xf32, #tpu.memory_space<vmem>>, vector<1x256x128xf32>
    %get3A_8 = vector.shape_cast %get3A_7 : vector<1x256x128xf32> to vector<256x128xf32>
    %add3A = arith.addf %get3A_3, %get3A_8 : vector<256x128xf32>
    %get3A_9 = arith.constant 0 : index
    %get3A_10 = arith.constant 0 : index
    %get3A_11 = vector.load %arg1[%get3A_9, %get3A_10] : memref<128x128xf32, #tpu.memory_space<vmem>>, vector<128x128xf32>
    %dot_general3A = arith.constant dense<0.000000e+00> : vector<256x128xf32>
    %dot_general3A_12 = tpu.matmul %add3A, %get3A_11, %dot_general3A {dimension_numbers = #tpu.dot_dimension_numbers<[1], [1], [0], [0], [0, 0, 1, 0], [], []>, precision = #tpu.contract_precision<fp32>, transpose_lhs_hint = false} : vector<256x128xf32>, vector<128x128xf32>, vector<256x128xf32> -> vector<256x128xf32>
    %get3A_13 = arith.constant 0 : index
    %get3A_14 = arith.constant 0 : index
    %get3A_15 = vector.load %arg2[%get3A_13, %get3A_14] : memref<1x128xf32, #tpu.memory_space<vmem>>, vector<1x128xf32>
    %add3A_16 = vector.broadcast %get3A_15 : vector<1x128xf32> to vector<256x128xf32>
    %add3A_17 = arith.addf %dot_general3A_12, %add3A_16 : vector<256x128xf32>
    %max3A = arith.constant 0.000000e+00 : f32
    %max3A_18 = vector.broadcast %max3A : f32 to vector<256x128xf32>
    %max3A_19 = arith.maximumf %add3A_17, %max3A_18 : vector<256x128xf32>
    %swap3A = arith.constant 0 : index
    %swap3A_20 = arith.constant 0 : index
    %swap3A_21 = vector.load %arg3[%swap3A, %swap3A_20] : memref<256x128xf32, #tpu.memory_space<vmem>>, vector<256x128xf32>
    tpu.vector_store %arg3[%swap3A, %swap3A_20], %max3A_19 {strides = array<i32>} : memref<256x128xf32, #tpu.memory_space<vmem>>, vector<256x128xf32>,
    return
  }
}

</mosaic_0001>

<sc_bundles>
// kernel: kernel.5.cloned.1.call-start
scs
__scs_entry_jumppad:
0x0: {  	(pc) =	sbr.rel $0x88, $3  }
0x1: {  	(tag) =	ssettag $0x0;
	lr =	simm.s32 $0x1  }
0x2: {  	[smem:$0x3F9D] =	sst lr;
	_ =	strace $0xD0000000  }
0x3: {  	_ = 	snop  }
0x4: {  	_ = 	snop  }
0x5: {  	_ = 	snop  }
0x6: {  	_ = 	snop  }
0x7: {  	_ = 	snop  }
__scs_overlays_trampoline_lowered:
0x8: {  	[smem:$0x3FAC] =	sst s0  }
0x9: {  	[smem:$0x3FAD] =	sst s1  }
0xa: {  	[smem:$0x3FAE] =	sst s2  }
0xb: {  	[smem:$0x3FAF] =	sst s3  }
0xc: {  	[smem:$0x3FB0] =	sst s4  }
0xd: {  	[smem:$0x3FB1] =	sst s5  }
0xe: {  	[smem:$0x3FB2] =	sst s6  }
0xf: {  	[smem:$0x3FB3] =	sst s7  }
0x10: {  	[smem:$0x3FB4] =	sst s8  }
0x11: {  	[smem:$0x3FB5] =	sst s9;
	s0 =	simm.s32 @!p0 $0x0  }
0x12: {  	s1 =	sld [smem:$0x3F9B];
	s0 =	simm.s32 @p0 $0x1  }
0x13: {  	[smem:$0x3FB6] =	sst s0;
	s0 =	simm.s32 @!p1 $0x0  }
0x14: {  	s2 =	sld [smem:$0x3F9A];
	s0 =	simm.s32 @p1 $0x1  }
0x15: {  	[smem:$0x3FB7] =	sst s0;
	s0 =	simm.s32 @!p2 $0x0  }
0x16: {  	s3 =	sld [smem:$0x3FDB];
	s0 =	simm.s32 @p2 $0x1  }
0x17: {  	s4 =	simm.s32 $0x1BF5;
	[smem:$0x3FB9] =	sst s0  }
0x18: {  	s0 =	sld [smem:$0x3F9C];
	_ =	swait.ge [sflag:s4], $0x0  }
0x19: {  	s7 =	sld [smem:$0x3F9D]  }
0x1a: {  	s8 =	sadd.s32 $0xFFFFE003, lr  }
0x1b: {  	s9 =	sadd.s32 $0xFFFFFEF7, lr;
	s5 =	simm.s32 $0xFFFFFFFF;
	p2 =	slt.u32 s8, $0xFFFFF086  }
0x1c: {  	p1 =	slt.u32 s9, $0xF7A;
	s5 =	simm.s32 @!p2 $0x0  }
0x1d: {  	s5 =	simm.s32 @p1 $0x1;
	p0 =	seq.s32 s7, s2  }
0x1e: {  	s7 =	smul.u32 @!p0 $0xF7A, s2;
	p2 =	seq.s32 @!p0 s5, $0x0  }
0x1f: {  	s9 =	smul.u32 $0xF7A, s1;
	s8 =	simm.s32 @!p0 $0x1BF5;
	p2 =	por !p2, p0  }
0x20: {  	[sflag:s8] =	ssyncset.s32 @!p0 $0xFFFFF086;
	s6 =	sadd.s32 @!p0 s3, s7;
	s7 =	simm.s32 @!p0 $0x108  }
0x21: {  	s3 =	sadd.s32 s3, s9;
	s6 =	sadd.s32 @!p0 $0x88, s6;
	s7 =	simm.s32 @p2 $0x1082  }
0x22: {  	[simem:s7], [sflag:s8] =	dma.local @!p0 [hbm:s6], $0xF7A  }
0x23: {  	s9 =	sor.u32 $0xD0000000, s2;
	s6 =	simm.s32 $0x108;
	_ =	swait.ge @!p0 [sflag:s8], $0x0  }
0x24: {  	s3 =	sadd.s32 $0x88, s3;
	s6 =	simm.s32 @!p1 $0x1082;
	[sflag:s4] =	ssyncset.s32 $0xFFFFF086  }
0x25: {  	[simem:s6], [sflag:s4] =	dma.local [hbm:s3], $0xF7A  }
0x26: {  	[smem:$0x3F9D] =	sst s1;
	(tag) =	ssettag s2;
	_ =	strace s9  }
0x27: {  	s1 =	sld [smem:$0x3FAD]  }
0x28: {  	s2 =	sld [smem:$0x3FAE]  }
0x29: {  	s4 =	sld [smem:$0x3FB0]  }
0x2a: {  	p0 =	seq.s32 s5, $0x0;
	s5 =	sld [smem:$0x3FB1]  }
0x2b: {  	s6 =	sld [smem:$0x3FB2]  }
0x2c: {  	s7 =	sld [smem:$0x3FB3]  }
0x2d: {  	s3 =	simm.s32 $0x108;
	s8 =	sld [smem:$0x3FB4]  }
0x2e: {  	s3 =	simm.s32 @!p0 $0x1082;
	s9 =	sld [smem:$0x3FB5]  }
0x2f: {  	lr =	sadd.s32 s0, s3;
	s0 =	sld [smem:$0x3FAC]  }
0x30: {  	s3 =	sld [smem:$0x3FAF]  }
0x31: {  	[smem:$0x3FB8] =	sst s10  }
0x32: {  	s10 =	sld [smem:$0x3FB6];
	_ =	sdelay $0x3  }
0x33: {  	p0 =	seq.s32 s10, $0x1;
	s10 =	sld [smem:$0x3FB8];
	_ =	sdelay $0x3  }
0x34: {  	[smem:$0x3FB8] =	sst s10  }
0x35: {  	s10 =	sld [smem:$0x3FB7];
	_ =	sdelay $0x3  }
0x36: {  	p1 =	seq.s32 s10, $0x1;
	s10 =	sld [smem:$0x3FB8];
	_ =	sdelay $0x3  }
0x37: {  	[smem:$0x3FB8] =	sst s10  }
0x38: {  	s10 =	sld [smem:$0x3FB9]  }
0x39: {  	_ = 	snop;
	(pc) =	sbr.ind lr, $3  }
0x3a: {  	_ = 	snop  }
0x3b: {  	_ = 	snop  }
0x3c: {  	p2 =	seq.s32 s10, $0x1;
	s10 =	sld [smem:$0x3FB8]  }
0x3d: {  	_ =	shalt  }
0x3e: {  	_ =	shalt  }
0x3f: {  	_ =	shalt  }
0x40: {  	_ =	shalt  }
0x41: {  	_ =	shalt  }
0x42: {  	_ =	shalt  }
0x43: {  	_ =	shalt  }
0x44: {  	_ =	shalt  }
0x45: {  	_ =	shalt  }
0x46: {  	_ =	shalt  }
0x47: {  	_ =	shalt  }
0x48: {  	_ =	shalt  }
0x49: {  	_ =	shalt  }
0x4a: {  	_ =	shalt  }
0x4b: {  	_ =	shalt  }
0x4c: {  	_ =	shalt  }
0x4d: {  	_ =	shalt  }
0x4e: {  	_ =	shalt  }
0x4f: {  	_ =	shalt  }
0x50: {  	_ =	shalt  }
0x51: {  	_ =	shalt  }
0x52: {  	_ =	shalt  }
0x53: {  	_ =	shalt  }
0x54: {  	_ =	shalt  }
0x55: {  	_ =	shalt  }
0x56: {  	_ =	shalt  }
0x57: {  	_ =	shalt  }
0x58: {  	_ =	shalt  }
0x59: {  	_ =	shalt  }
0x5a: {  	_ =	shalt  }
0x5b: {  	_ =	shalt  }
0x5c: {  	_ =	shalt  }
0x5d: {  	_ =	shalt  }
0x5e: {  	_ =	shalt  }
0x5f: {  	_ =	shalt  }
0x60: {  	_ =	shalt  }
0x61: {  	_ =	shalt  }
0x62: {  	_ =	shalt  }
0x63: {  	_ =	shalt  }
0x64: {  	_ =	shalt  }
0x65: {  	_ =	shalt  }
0x66: {  	_ =	shalt  }
0x67: {  	_ =	shalt  }
0x68: {  	_ =	shalt  }
0x69: {  	_ =	shalt  }
0x6a: {  	_ =	shalt  }
0x6b: {  	_ =	shalt  }
0x6c: {  	_ =	shalt  }
0x6d: {  	_ =	shalt  }
0x6e: {  	_ =	shalt  }
0x6f: {  	_ =	shalt  }
0x70: {  	_ =	shalt  }
0x71: {  	_ =	shalt  }
0x72: {  	_ =	shalt  }
0x73: {  	_ =	shalt  }
0x74: {  	_ =	shalt  }
0x75: {  	_ =	shalt  }
0x76: {  	_ =	shalt  }
0x77: {  	_ =	shalt  }
0x78: {  	_ =	shalt  }
0x79: {  	_ =	shalt  }
0x7a: {  	_ =	shalt  }
0x7b: {  	_ =	shalt  }
0x7c: {  	_ =	shalt  }
0x7d: {  	_ =	shalt  }
0x7e: {  	_ =	shalt  }
0x7f: {  	_ =	shalt  }
0x80: {  	_ =	shalt  }
0x81: {  	_ =	shalt  }
0x82: {  	_ =	shalt  }
0x83: {  	_ =	shalt  }
0x84: {  	_ =	shalt  }
0x85: {  	_ =	shalt  }
0x86: {  	_ =	shalt  }
0x87: {  	_ =	shalt  }
.Lfunc_end0:
.L_simem_size_0:
called_computation_lowered:
.L_overlay_start_0:
0x88: {  	s2 =	sld [smem:$0x3FD9]  }
0x89: {  	s3 =	sld [smem:$0x3FFE];
	_ =	sdelay $0x1  }
0x8a: {  	s1 =	srdreg.scid  }
0x8b: {  	s0 =	sand.u32 $0x1, s1  }
0x8c: {  	s18 =	sshll.u32 s0, $0xA;
	s2 =	sadd.s32 s3, s2  }
0x8d: {  	s2 =	sadd.s32 s2, s18  }
0x8e: {  	[smem:$0x3FC4] =	sst s2  }
0x8f: {  	_ = 	snop  }
0x90: {  	s2 =	sld [smem:$0x3FC9]  }
0x91: {  	s19 =	sld [smem:$0x3FC8]  }
0x92: {  	s4 =	sld [smem:$0x3FD0];
	(tm) =	ssettm $0x1  }
0x93: {  	s5 =	sld [smem:$0x3FFB];
	_ =	sdelay $0x3  }
0x94: {  	_ =	strace s5  }
0x95: {  	s5 =	sld [smem:$0x3FFC];
	_ =	sdelay $0x3  }
0x96: {  	_ =	strace s5  }
0x97: {  	s5 =	sld [smem:$0x3FFD];
	_ =	sdelay $0x3  }
0x98: {  	_ =	strace s5  }
0x99: {  	_ =	strace $0x8FFFFFFF  }
0x9a: {  	s20 =	sld [smem:$0x3FDB];
	_ =	sdelay $0x1  }
0x9b: {  	s6 =	simm.s32 $_scs_section_size  }
0x9c: {  	s7 =	simm.s32 $_size__tile_overlayer_lowered;
	s8 =	simm.s32 $_tile_overlayer_lowered  }
0x9d: {  	s23 =	simm.s32 $0x1BFF;
	s22 =	sshll.u32 s8, $0x1;
	s5 =	sadd.s32 s6, s20  }
0x9e: {  	s9 =	simm.s32 $0x0;
	s21 =	sshll.u32 s7, $0x1;
	s7 =	sadd.s32 s22, s5  }
0x9f: {  	[timem:s9], [sflag:s23] =	dma.local [hbm:s7], s21  }
0xa0: {  	_ =	swait.ge [sflag:s23], s21  }
0xa1: {  	s6 =	ssub.s32 $0x0, s21;
	[sflag:s23] =	ssyncset.done $0x0  }
0xa2: {  	[sflag:s23] =	ssyncadd.s32 s6;
	_ =	sdelay $0x1  }
0xa3: {  	s24 =	simm.s32 $0x1B8B  }
0xa4: {  	_ =	swait.ge [sflag:s24], $0x1  }
0xa5: {  	[sflag:s24] =	ssyncset.done $0x0  }
0xa6: {  	s25 =	simm.s32 $0x1B8E;
	[sflag:s24] =	ssyncadd.s32 $0xFFFFFFFF  }
0xa7: {  	s26 =	simm.s32 $execute0_lowered;
	[smem:$0x3FD2] =	sst s25  }
0xa8: {  	s6 =	sshll.u32 s26, $0x1;
	_ =	strace $0x80000046;
	[dreg:$0x1] =	wrdreg $0xFFFFFFFF  }
0xa9: {  	s28 =	simm.s32 $_size_execute0_lowered;
	s5 =	sadd.s32 s5, s6;
	[dreg:$0x0] =	wrdreg $0x0  }
0xaa: {  	s6 =	sshll.u32 s28, $0x1;
	[dreg:$0x2] =	wrdreg s5  }
0xab: {  	[dreg:$0x3] =	wrdreg s6  }
0xac: {  	[dreg:$0x4] =	wrdreg $0xC0  }
0xad: {  	_ =	task [dreg:s9], $0x5FFFF  }
0xae: {  	[dreg:$0x1] =	wrdreg $0xFFFFFFFF  }
0xaf: {  	[dreg:$0x0] =	wrdreg $0x60  }
0xb0: {  	[dreg:$0x2] =	wrdreg s2  }
0xb1: {  	[dreg:$0x3] =	wrdreg s19  }
0xb2: {  	[dreg:$0x4] =	wrdreg s4  }
0xb3: {  	[dreg:$0x5] =	wrdreg $0x30800  }
0xb4: {  	[dreg:$0x6] =	wrdreg $0x9  }
0xb5: {  	_ =	task.clear_ibuf [dreg:s9], $0x7FFFF;
	_ =	strace $0x90000046  }
0xb6: {  	s29 =	simm.s32 $0x9;
	_ =	strace $0x80000048  }
0xb7: {  	_ =	swait.ge [sflag:s29], $0x1  }
0xb8: {  	[sflag:s29] =	ssyncadd.s32 $0xFFFFFFFF  }
0xb9: {  	_ =	strace $0x90000048  }
0xba: {  	_ =	sfence  }
0xbb: {  	s30 =	sld [smem:$0x0];
	_ =	sdelay $0x2  }
0xbc: {  	s31 =	sshll.u32 s1, $0xD;
	s1 =	sshrl.u32 s1, $0x2  }
0xbd: {  	s3 =	sand.u32 $0x4000, s31;
	s1 =	sadd.s32 s1, s30  }
0xbe: {  	s0 =	sor.u32 s3, s0;
	s1 =	sshll.u32 s1, $0x11  }
0xbf: {  	s0 =	sor.u32 s1, s0  }
0xc0: {  	s0 =	sadd.s32 $0x8F2B, s0  }
0xc1: {  	[sflag:s0] =	ssyncadd.remote.s32 $0x1  }
0xc2: {  	_ =	sfence.sel $0xFFFF  }
0xc3: {  	[dreg:$0x0] =	wrdreg $0xFFFFFFFF;
	(pc) =	sbr.abs _section_cstart, $3  }
0xc4: {  	[dreg:$0x1] =	wrdreg $0xFFFFFFFF  }
0xc5: {  	_ =	task.clear_ibuf [dreg:s9], $0x2FFFF;
	_ =	strace $0x9FFFFFFF  }
0xc6: {  	(tm) =	ssettm $0x7FFFFFFF  }
0xc7: {  	_ =	shalt  }
tec
execute0_lowered:
.L_overlay_start_1:
0x0: {  	(tag) =	ssettag $0x1  }
0x1: {  	s7 =	rddreg [dreg:$0x0]  }
0x2: {  	s9 =	rddreg [dreg:$0x1]  }
0x3: {  	s5 =	rddreg [dreg:$0x2]  }
0x4: {  	s0 =	srdreg.scid;
	s1 =	rddreg [dreg:$0x3];
	s2 =	simm.s32 $0x0  }
0x5: {  	s3 =	stileid.u32;
	s8 =	sand.u32 $0x1, s0;
	s0 =	rddreg [dreg:$0x4]  }
0x6: {  	[smem:$0x7FF] =	sst s2;
	s11 =	smul.u32 $0xA00, s3  }
0x7: {  	s28 =	sshll.u32 s3, $0x8;
	s29 =	sshll.u32 s3, $0xB;
	s30 =	smul.u32 $0x14, s3  }
0x8: {  	s31 =	sshll.u32 s3, $0x6;
	s4 =	ssub.s32 $0x2, s8;
	_ =	strace $0x80000047  }
0x9: {  	s12 =	sshll.u32 s8, $0xC;
	s5 =	sadd.s32 s5, s28;
	s13 =	smul.u32 $0x500, s8  }
0xa: {  	s14 =	smul.u32 $0xA, s8;
	s6 =	sshrl.u32 s4, $0x1;
	s5 =	sadd.s32 s12, s5  }
0xb: {  	s11 =	sadd.s32 s11, s7;
	s9 =	sadd.s32 s30, s9;
	s12 =	sor.u32 $0x1C01, s31  }
0xc: {  	s10 =	ssub.s32 s4, s6;
	s4 =	sshll.u32 s3, $0x1;
	s6 =	sadd.s32 s29, s1  }
0xd: {  	s8 =	sadd.s32 s13, s11;
	s9 =	sadd.s32 s14, s9;
	s11 =	simm.s32 $0x1  }
0xe: {  	v0 =	vimm.f32 $0.0e+00;
	s7 =	smax.u32 s10, $0x1;
	s10 =	simm.s32 $0x2880;
	s13 =	sshrl.u32 s6, $0x3  }
.LBB2_1:
0xf: {  	s14 =	simm.s32 $0x0;
	s15 =	simm.s32 $0x200  }
.LBB2_2:
0x10: {  	p0 =	sne.s32 s15, $0x1E00;
	[tilespmem:s14+$0x28F0] =	vst v0  }
0x11: {  	[tilespmem:s14+$0x2880] =	vst v0  }
0x12: {  	[tilespmem:s14+$0x2890] =	vst v0  }
.Ltmp0:
0x13: {  	[tilespmem:s14+$0x28A0] =	vst v0;
	(pc) =	sbr.rel @p0 .LBB2_2-.Ltmp0, $4  }
0x14: {  	[tilespmem:s14+$0x28B0] =	vst v0  }
0x15: {  	[tilespmem:s14+$0x28C0] =	vst v0  }
0x16: {  	[tilespmem:s14+$0x28D0] =	vst v0  }
0x17: {  	[tilespmem:s14+$0x28E0] =	vst v0;
	s14 =	sshra.s32 s15, $0x2;
	s15 =	sadd.s32 $0x200, s15  }
0x18: {  	[tilespmem:s14+$0x28F0] =	vst v0  }
0x19: {  	[tilespmem:s14+$0x2880] =	vst v0  }
0x1a: {  	[tilespmem:s14+$0x2890] =	vst v0  }
0x1b: {  	[tilespmem:s14+$0x28A0] =	vst v0  }
0x1c: {  	[tilespmem:s14+$0x28B0] =	vst v0  }
0x1d: {  	[tilespmem:s14+$0x28C0] =	vst v0  }
0x1e: {  	[tilespmem:s14+$0x28D0] =	vst v0  }
0x1f: {  	[tilespmem:s14+$0x28E0] =	vst v0  }
0x20: {  	[spmem:s6] =	stream.linear.scatter [tilespmem:s10], [sflag:$0x1], $0x800, $0x38;
	[tilespmem:$0x3880] =	vst v63  }
0x21: {  	_ =	swait.ge [sflag:s11], $0x800  }
0x22: {  	s30 =	sadd.s32 $0x0, s4;
	[sflag:s11] =	ssyncset.done $0x0  }
0x23: {  	p0 =	sgt.u32 s30, $0x4E1;
	[sflag:s11] =	ssyncadd.s32 $0xFFFFF800  }
0x24: {  	s15 =	simm.s32 @!p0 $0x0;
	s16 =	simm.s32 @!p0 $0x2;
	[bflag:$0x0] =	sbarrier.arrive $0xFFFF  }
0x25: {  	[tilespmem:s15], [sflag:$0x2] =	stream.linear.gather @!p0 [hbm4b:s9+s15], $0x50, $0x38;
	[tilespmem:$0x3880] =	vst v63  }
0x26: {  	_ =	swait.ge @!p0 [sflag:s16], $0x50  }
0x27: {  	[sflag:s16] =	ssyncset.done @!p0 $0x0;
	p0 =	por p0, p0  }
0x28: {  	[sflag:s16] =	ssyncadd.s32 @!p0 $0xFFFFFFB0;
	s18 =	simm.s32 @!p0 $0x80  }
0x29: {  	[tilespmem:s18], [sflag:$0x2] =	stream.linear.gather @!p0 [hbm4b:s8+s15], $0x2800, $0x38;
	[tilespmem:$0x3880] =	vst v63  }
0x2a: {  	_ =	swait.ge @!p0 [sflag:s16], $0x2800  }
0x2b: {  	s31 =	sadd.s32 $0x20, s4;
	[sflag:s16] =	ssyncset.done @!p0 $0x0  }
0x2c: {  	s17 =	simm.s32 @!p0 $0x1;
	[sflag:s16] =	ssyncadd.s32 @!p0 $0xFFFFD800;
	s16 =	simm.s32 @!p0 $0x50  }
0x2d: {  	[spmem:s1] =	stream.indirect.scatter.add.f32 @!p0 [tilespmem:s18], [sflag:$0x1], $0x80, s15, s16, $0xb8;
	[tilespmem:$0x3880] =	vst v63  }
0x2e: {  	s14 =	simm.s32 $0x40;
	p1 =	sgt.u32 s31, $0x4E1;
	_ =	swait.ge @!p0 [sflag:s17], $0x2800  }
0x2f: {  	s16 =	sadd.s32 $0x140, s9;
	s15 =	sadd.s32 $0xA000, s8;
	[sflag:s17] =	ssyncset.done @!p0 $0x0  }
.LBB2_4:
0x30: {  	s18 =	simm.s32 @!p1 $0x0;
	s19 =	simm.s32 @!p1 $0x2;
	[sflag:s17] =	ssyncadd.s32 @!p0 $0xFFFFD800  }
0x31: {  	[tilespmem:s18], [sflag:$0x2] =	stream.linear.gather @!p1 [hbm4b:s16+s18], $0x50, $0x38;
	[tilespmem:$0x3880] =	vst v63  }
0x32: {  	s20 =	smov.u32 s14;
	s14 =	sadd.s32 $0x20, s14;
	_ =	swait.ge @!p1 [sflag:s19], $0x50  }
0x33: {  	p0 =	por p1, p1;
	p2 =	sne.s32 s14, $0x500;
	[sflag:s19] =	ssyncset.done @!p1 $0x0  }
0x34: {  	s21 =	simm.s32 @!p0 $0x80;
	[sflag:s19] =	ssyncadd.s32 @!p0 $0xFFFFFFB0  }
0x35: {  	[tilespmem:s21], [sflag:$0x2] =	stream.linear.gather @!p0 [hbm4b:s15+s18], $0x2800, $0x38;
	[tilespmem:$0x3880] =	vst v63  }
0x36: {  	_ =	swait.ge @!p0 [sflag:s19], $0x2800  }
.Ltmp1:
0x37: {  	[sflag:s19] =	ssyncset.done @!p0 $0x0;
	(pc) =	sbr.rel @p2 .LBB2_4-.Ltmp1, $4  }
0x38: {  	s17 =	simm.s32 @!p0 $0x1;
	[sflag:s19] =	ssyncadd.s32 @!p0 $0xFFFFD800;
	s19 =	simm.s32 @!p0 $0x50  }
0x39: {  	[spmem:s1] =	stream.indirect.scatter.add.f32 @!p0 [tilespmem:s21], [sflag:$0x1], $0x80, s18, s19, $0xb8;
	[tilespmem:$0x3880] =	vst v63  }
0x3a: {  	s16 =	sadd.s32 $0x140, s16;
	s18 =	sadd.s32 s20, s4;
	_ =	swait.ge @!p0 [sflag:s17], $0x2800  }
0x3b: {  	s15 =	sadd.s32 $0xA000, s15;
	p1 =	sgt.u32 s18, $0x4E1;
	[sflag:s17] =	ssyncset.done @!p0 $0x0  }
0x3c: {  	s14 =	simm.s32 @!p1 $0x0;
	s18 =	simm.s32 @!p1 $0x2;
	[sflag:s17] =	ssyncadd.s32 @!p0 $0xFFFFD800  }
0x3d: {  	[tilespmem:s14], [sflag:$0x2] =	stream.linear.gather @!p1 [hbm4b:s16+s14], $0x50, $0x38;
	[tilespmem:$0x3880] =	vst v63  }
0x3e: {  	_ =	swait.ge @!p1 [sflag:s18], $0x50  }
0x3f: {  	p0 =	por p1, p1;
	[sflag:s18] =	ssyncset.done @!p1 $0x0  }
0x40: {  	s16 =	simm.s32 @!p0 $0x80;
	[sflag:s18] =	ssyncadd.s32 @!p0 $0xFFFFFFB0  }
0x41: {  	[tilespmem:s16], [sflag:$0x2] =	stream.linear.gather @!p0 [hbm4b:s15+s14], $0x2800, $0x38;
	[tilespmem:$0x3880] =	vst v63  }
0x42: {  	_ =	swait.ge @!p0 [sflag:s18], $0x2800  }
0x43: {  	[sflag:s18] =	ssyncset.done @!p0 $0x0  }
0x44: {  	s17 =	simm.s32 @!p0 $0x1;
	s15 =	simm.s32 @!p0 $0x50;
	[sflag:s18] =	ssyncadd.s32 @!p0 $0xFFFFD800  }
0x45: {  	[spmem:s1] =	stream.indirect.scatter.add.f32 @!p0 [tilespmem:s16], [sflag:$0x1], $0x80, s14, s15, $0xb8;
	[tilespmem:$0x3880] =	vst v63  }
0x46: {  	_ =	swait.ge @!p0 [sflag:s17], $0x2800  }
0x47: {  	s2 =	sadd.s32 $0x1, s2;
	[sflag:s17] =	ssyncset.done @!p0 $0x0  }
0x48: {  	[sflag:s17] =	ssyncadd.s32 @!p0 $0xFFFFD800;
	p0 =	sne.s32 s2, s7  }
.Ltmp2:
0x49: {  	[bflag:$0x0] =	sbarrier.arrive $0xFFFF;
	(pc) =	sbr.rel @p0 .LBB2_1-.Ltmp2, $4  }
0x4a: {  	[hbm:s5], [sflag:s12] =	dma.local [spmem:s13], $0x100  }
0x4b: {  	_ =	swait.ge [sflag:s11], $0x100  }
0x4c: {  	[sflag:s11] =	ssyncset.done $0x0  }
0x4d: {  	[sflag:s11] =	ssyncadd.s32 $0xFFFFFF00  }
0x4e: {  	_ =	sfence.sel $0x180000  }
0x4f: {  	[bflag:$0x0] =	sbarrier.arrive $0xFFFF  }
0x50: {  	p0 =	sne.s32 s3, $0x0;
	_ =	strace $0x90000047  }
0x51: {  	s0 =	sadd.s32 @!p0 $0x100000, s0;
	[bflag:$0x2] =	sbarrier.arrive $0xFFFF  }
0x52: {  	[sflag:s0] =	ssyncadd.tile.s32 @!p0 $0x1;
	_ =	shalt  }
.Lfunc_end2:
_tile_overlayer_lowered:
.L_overlay_start_2:
0x53: {  	(tag) =	ssettag $0x2  }
0x54: {  	s0 =	rddreg [dreg:$0x0];
	s2 =	stileid.u32  }
0x55: {  	s1 =	rddreg [dreg:$0x1];
	p0 =	sne.s32 s2, $0x0  }
0x56: {  	s3 =	rddreg [dreg:$0x2];
	[bflag:$0x3] =	sbarrier.arrive $0xFFFF;
	s2 =	simm.s32 @!p0 $0x1C01  }
0x57: {  	[timem:s3], [sflag:s2] =	dma.local @!p0 [hbm:s0], s1  }
0x58: {  	s0 =	simm.s32 @!p0 $0x1  }
0x59: {  	_ =	swait.ge @!p0 [sflag:s0], s1  }
0x5a: {  	s1 =	ssub.s32 @!p0 $0x0, s1;
	[sflag:s0] =	ssyncset.done @!p0 $0x0  }
0x5b: {  	[sflag:s0] =	ssyncadd.s32 @!p0 s1  }
0x5c: {  	[bflag:$0x3] =	sbarrier.arrive $0xFFFF  }
0x5d: {  	_ =	shalt  }

// kernel: kernel.8.cloned.1.call-start
scs
__scs_entry_jumppad:
0x0: {  	(pc) =	sbr.rel $0x88, $3  }
0x1: {  	(tag) =	ssettag $0x0;
	lr =	simm.s32 $0x1  }
0x2: {  	[smem:$0x3F9D] =	sst lr;
	_ =	strace $0xD0000000  }
0x3: {  	_ = 	snop  }
0x4: {  	_ = 	snop  }
0x5: {  	_ = 	snop  }
0x6: {  	_ = 	snop  }
0x7: {  	_ = 	snop  }
__scs_overlays_trampoline_lowered:
0x8: {  	[smem:$0x3FAC] =	sst s0  }
0x9: {  	[smem:$0x3FAD] =	sst s1  }
0xa: {  	[smem:$0x3FAE] =	sst s2  }
0xb: {  	[smem:$0x3FAF] =	sst s3  }
0xc: {  	[smem:$0x3FB0] =	sst s4  }
0xd: {  	[smem:$0x3FB1] =	sst s5  }
0xe: {  	[smem:$0x3FB2] =	sst s6  }
0xf: {  	[smem:$0x3FB3] =	sst s7  }
0x10: {  	[smem:$0x3FB4] =	sst s8  }
0x11: {  	[smem:$0x3FB5] =	sst s9;
	s0 =	simm.s32 @!p0 $0x0  }
0x12: {  	s1 =	sld [smem:$0x3F9B];
	s0 =	simm.s32 @p0 $0x1  }
0x13: {  	[smem:$0x3FB6] =	sst s0;
	s0 =	simm.s32 @!p1 $0x0  }
0x14: {  	s2 =	sld [smem:$0x3F9A];
	s0 =	simm.s32 @p1 $0x1  }
0x15: {  	[smem:$0x3FB7] =	sst s0;
	s0 =	simm.s32 @!p2 $0x0  }
0x16: {  	s3 =	sld [smem:$0x3FDB];
	s0 =	simm.s32 @p2 $0x1  }
0x17: {  	s4 =	simm.s32 $0x1BF5;
	[smem:$0x3FB9] =	sst s0  }
0x18: {  	s0 =	sld [smem:$0x3F9C];
	_ =	swait.ge [sflag:s4], $0x0  }
0x19: {  	s7 =	sld [smem:$0x3F9D]  }
0x1a: {  	s8 =	sadd.s32 $0xFFFFE003, lr  }
0x1b: {  	s9 =	sadd.s32 $0xFFFFFEF7, lr;
	s5 =	simm.s32 $0xFFFFFFFF;
	p2 =	slt.u32 s8, $0xFFFFF086  }
0x1c: {  	p1 =	slt.u32 s9, $0xF7A;
	s5 =	simm.s32 @!p2 $0x0  }
0x1d: {  	s5 =	simm.s32 @p1 $0x1;
	p0 =	seq.s32 s7, s2  }
0x1e: {  	s7 =	smul.u32 @!p0 $0xF7A, s2;
	p2 =	seq.s32 @!p0 s5, $0x0  }
0x1f: {  	s9 =	smul.u32 $0xF7A, s1;
	s8 =	simm.s32 @!p0 $0x1BF5;
	p2 =	por !p2, p0  }
0x20: {  	[sflag:s8] =	ssyncset.s32 @!p0 $0xFFFFF086;
	s6 =	sadd.s32 @!p0 s3, s7;
	s7 =	simm.s32 @!p0 $0x108  }
0x21: {  	s3 =	sadd.s32 s3, s9;
	s6 =	sadd.s32 @!p0 $0x88, s6;
	s7 =	simm.s32 @p2 $0x1082  }
0x22: {  	[simem:s7], [sflag:s8] =	dma.local @!p0 [hbm:s6], $0xF7A  }
0x23: {  	s9 =	sor.u32 $0xD0000000, s2;
	s6 =	simm.s32 $0x108;
	_ =	swait.ge @!p0 [sflag:s8], $0x0  }
0x24: {  	s3 =	sadd.s32 $0x88, s3;
	s6 =	simm.s32 @!p1 $0x1082;
	[sflag:s4] =	ssyncset.s32 $0xFFFFF086  }
0x25: {  	[simem:s6], [sflag:s4] =	dma.local [hbm:s3], $0xF7A  }
0x26: {  	[smem:$0x3F9D] =	sst s1;
	(tag) =	ssettag s2;
	_ =	strace s9  }
0x27: {  	s1 =	sld [smem:$0x3FAD]  }
0x28: {  	s2 =	sld [smem:$0x3FAE]  }
0x29: {  	s4 =	sld [smem:$0x3FB0]  }
0x2a: {  	p0 =	seq.s32 s5, $0x0;
	s5 =	sld [smem:$0x3FB1]  }
0x2b: {  	s6 =	sld [smem:$0x3FB2]  }
0x2c: {  	s7 =	sld [smem:$0x3FB3]  }
0x2d: {  	s3 =	simm.s32 $0x108;
	s8 =	sld [smem:$0x3FB4]  }
0x2e: {  	s3 =	simm.s32 @!p0 $0x1082;
	s9 =	sld [smem:$0x3FB5]  }
0x2f: {  	lr =	sadd.s32 s0, s3;
	s0 =	sld [smem:$0x3FAC]  }
0x30: {  	s3 =	sld [smem:$0x3FAF]  }
0x31: {  	[smem:$0x3FB8] =	sst s10  }
0x32: {  	s10 =	sld [smem:$0x3FB6];
	_ =	sdelay $0x3  }
0x33: {  	p0 =	seq.s32 s10, $0x1;
	s10 =	sld [smem:$0x3FB8];
	_ =	sdelay $0x3  }
0x34: {  	[smem:$0x3FB8] =	sst s10  }
0x35: {  	s10 =	sld [smem:$0x3FB7];
	_ =	sdelay $0x3  }
0x36: {  	p1 =	seq.s32 s10, $0x1;
	s10 =	sld [smem:$0x3FB8];
	_ =	sdelay $0x3  }
0x37: {  	[smem:$0x3FB8] =	sst s10  }
0x38: {  	s10 =	sld [smem:$0x3FB9]  }
0x39: {  	_ = 	snop;
	(pc) =	sbr.ind lr, $3  }
0x3a: {  	_ = 	snop  }
0x3b: {  	_ = 	snop  }
0x3c: {  	p2 =	seq.s32 s10, $0x1;
	s10 =	sld [smem:$0x3FB8]  }
0x3d: {  	_ =	shalt  }
0x3e: {  	_ =	shalt  }
0x3f: {  	_ =	shalt  }
0x40: {  	_ =	shalt  }
0x41: {  	_ =	shalt  }
0x42: {  	_ =	shalt  }
0x43: {  	_ =	shalt  }
0x44: {  	_ =	shalt  }
0x45: {  	_ =	shalt  }
0x46: {  	_ =	shalt  }
0x47: {  	_ =	shalt  }
0x48: {  	_ =	shalt  }
0x49: {  	_ =	shalt  }
0x4a: {  	_ =	shalt  }
0x4b: {  	_ =	shalt  }
0x4c: {  	_ =	shalt  }
0x4d: {  	_ =	shalt  }
0x4e: {  	_ =	shalt  }
0x4f: {  	_ =	shalt  }
0x50: {  	_ =	shalt  }
0x51: {  	_ =	shalt  }
0x52: {  	_ =	shalt  }
0x53: {  	_ =	shalt  }
0x54: {  	_ =	shalt  }
0x55: {  	_ =	shalt  }
0x56: {  	_ =	shalt  }
0x57: {  	_ =	shalt  }
0x58: {  	_ =	shalt  }
0x59: {  	_ =	shalt  }
0x5a: {  	_ =	shalt  }
0x5b: {  	_ =	shalt  }
0x5c: {  	_ =	shalt  }
0x5d: {  	_ =	shalt  }
0x5e: {  	_ =	shalt  }
0x5f: {  	_ =	shalt  }
0x60: {  	_ =	shalt  }
0x61: {  	_ =	shalt  }
0x62: {  	_ =	shalt  }
0x63: {  	_ =	shalt  }
0x64: {  	_ =	shalt  }
0x65: {  	_ =	shalt  }
0x66: {  	_ =	shalt  }
0x67: {  	_ =	shalt  }
0x68: {  	_ =	shalt  }
0x69: {  	_ =	shalt  }
0x6a: {  	_ =	shalt  }
0x6b: {  	_ =	shalt  }
0x6c: {  	_ =	shalt  }
0x6d: {  	_ =	shalt  }
0x6e: {  	_ =	shalt  }
0x6f: {  	_ =	shalt  }
0x70: {  	_ =	shalt  }
0x71: {  	_ =	shalt  }
0x72: {  	_ =	shalt  }
0x73: {  	_ =	shalt  }
0x74: {  	_ =	shalt  }
0x75: {  	_ =	shalt  }
0x76: {  	_ =	shalt  }
0x77: {  	_ =	shalt  }
0x78: {  	_ =	shalt  }
0x79: {  	_ =	shalt  }
0x7a: {  	_ =	shalt  }
0x7b: {  	_ =	shalt  }
0x7c: {  	_ =	shalt  }
0x7d: {  	_ =	shalt  }
0x7e: {  	_ =	shalt  }
0x7f: {  	_ =	shalt  }
0x80: {  	_ =	shalt  }
0x81: {  	_ =	shalt  }
0x82: {  	_ =	shalt  }
0x83: {  	_ =	shalt  }
0x84: {  	_ =	shalt  }
0x85: {  	_ =	shalt  }
0x86: {  	_ =	shalt  }
0x87: {  	_ =	shalt  }
.Lfunc_end0:
.L_simem_size_0:
called_computation.1_lowered:
.L_overlay_start_0:
0x88: {  	s2 =	sld [smem:$0x3FD9]  }
0x89: {  	s3 =	sld [smem:$0x3FFE];
	_ =	sdelay $0x1  }
0x8a: {  	s1 =	srdreg.scid  }
0x8b: {  	s0 =	sand.u32 $0x1, s1  }
0x8c: {  	s17 =	sshll.u32 s0, $0xA;
	s2 =	sadd.s32 s3, s2  }
0x8d: {  	s2 =	sadd.s32 s2, s17  }
0x8e: {  	[smem:$0x3FC4] =	sst s2  }
0x8f: {  	_ = 	snop  }
0x90: {  	s2 =	sld [smem:$0x3FC9]  }
0x91: {  	s18 =	sld [smem:$0x3FC8]  }
0x92: {  	s4 =	sld [smem:$0x3FD0];
	(tm) =	ssettm $0x1  }
0x93: {  	s5 =	sld [smem:$0x3FFB];
	_ =	sdelay $0x3  }
0x94: {  	_ =	strace s5  }
0x95: {  	s5 =	sld [smem:$0x3FFC];
	_ =	sdelay $0x3  }
0x96: {  	_ =	strace s5  }
0x97: {  	s5 =	sld [smem:$0x3FFD];
	_ =	sdelay $0x3  }
0x98: {  	_ =	strace s5  }
0x99: {  	_ =	strace $0x8FFFFFFF  }
0x9a: {  	s19 =	sld [smem:$0x3FDB];
	_ =	sdelay $0x1  }
0x9b: {  	s6 =	simm.s32 $_scs_section_size  }
0x9c: {  	s7 =	simm.s32 $_size__tile_overlayer_lowered;
	s8 =	simm.s32 $_tile_overlayer_lowered  }
0x9d: {  	s22 =	simm.s32 $0x1BFF;
	s21 =	sshll.u32 s8, $0x1;
	s5 =	sadd.s32 s6, s19  }
0x9e: {  	s9 =	simm.s32 $0x0;
	s20 =	sshll.u32 s7, $0x1;
	s7 =	sadd.s32 s21, s5  }
0x9f: {  	[timem:s9], [sflag:s22] =	dma.local [hbm:s7], s20  }
0xa0: {  	_ =	swait.ge [sflag:s22], s20  }
0xa1: {  	s6 =	ssub.s32 $0x0, s20;
	[sflag:s22] =	ssyncset.done $0x0  }
0xa2: {  	[sflag:s22] =	ssyncadd.s32 s6;
	_ =	sdelay $0x1  }
0xa3: {  	s23 =	simm.s32 $0x1B8B  }
0xa4: {  	_ =	swait.ge [sflag:s23], $0x1  }
0xa5: {  	[sflag:s23] =	ssyncset.done $0x0  }
0xa6: {  	s25 =	simm.s32 $0x1B8E;
	s24 =	sld [smem:$0x3FFE];
	[sflag:s23] =	ssyncadd.s32 $0xFFFFFFFF  }
0xa7: {  	s26 =	simm.s32 $execute0_lowered;
	[smem:$0x3FD2] =	sst s25  }
0xa8: {  	s7 =	sshll.u32 s26, $0x1;
	_ =	strace $0x80000049;
	[dreg:$0x1] =	wrdreg $0xFFFFFFFF  }
0xa9: {  	s28 =	simm.s32 $_size_execute0_lowered;
	s5 =	sadd.s32 s5, s7;
	[dreg:$0x0] =	wrdreg $0x0  }
0xaa: {  	s7 =	sshll.u32 s28, $0x1;
	[dreg:$0x2] =	wrdreg s5  }
0xab: {  	[dreg:$0x3] =	wrdreg s7  }
0xac: {  	[dreg:$0x4] =	wrdreg $0xC0  }
0xad: {  	_ =	task [dreg:s9], $0x5FFFF  }
0xae: {  	[dreg:$0x1] =	wrdreg $0xFFFFFFFF  }
0xaf: {  	[dreg:$0x0] =	wrdreg $0x60  }
0xb0: {  	[dreg:$0x2] =	wrdreg s2  }
0xb1: {  	[dreg:$0x3] =	wrdreg s18  }
0xb2: {  	[dreg:$0x4] =	wrdreg s24  }
0xb3: {  	[dreg:$0x5] =	wrdreg s4  }
0xb4: {  	[dreg:$0x6] =	wrdreg $0x50800  }
0xb5: {  	[dreg:$0x7] =	wrdreg $0x9  }
0xb6: {  	_ =	task.clear_ibuf [dreg:s9], $0x8FFFF;
	_ =	strace $0x90000049  }
0xb7: {  	s29 =	simm.s32 $0x9;
	_ =	strace $0x8000004B  }
0xb8: {  	_ =	swait.ge [sflag:s29], $0x1  }
0xb9: {  	[sflag:s29] =	ssyncadd.s32 $0xFFFFFFFF  }
0xba: {  	_ =	strace $0x9000004B  }
0xbb: {  	_ =	sfence  }
0xbc: {  	s30 =	sld [smem:$0x0];
	_ =	sdelay $0x2  }
0xbd: {  	s31 =	sshll.u32 s1, $0xD;
	s1 =	sshrl.u32 s1, $0x2  }
0xbe: {  	s3 =	sand.u32 $0x4000, s31;
	s1 =	sadd.s32 s1, s30  }
0xbf: {  	s0 =	sor.u32 s3, s0;
	s1 =	sshll.u32 s1, $0x11  }
0xc0: {  	s0 =	sor.u32 s1, s0  }
0xc1: {  	s0 =	sadd.s32 $0x8F2B, s0  }
0xc2: {  	[sflag:s0] =	ssyncadd.remote.s32 $0x1  }
0xc3: {  	_ =	sfence.sel $0xFFFF  }
0xc4: {  	[dreg:$0x0] =	wrdreg $0xFFFFFFFF;
	(pc) =	sbr.abs _section_cstart, $3  }
0xc5: {  	[dreg:$0x1] =	wrdreg $0xFFFFFFFF  }
0xc6: {  	_ =	task.clear_ibuf [dreg:s9], $0x2FFFF;
	_ =	strace $0x9FFFFFFF  }
0xc7: {  	(tm) =	ssettm $0x7FFFFFFF  }
tec
execute0_lowered:
.L_overlay_start_1:
0x0: {  	(tag) =	ssettag $0x1  }
0x1: {  	s1 =	rddreg [dreg:$0x0]  }
0x2: {  	s2 =	rddreg [dreg:$0x1]  }
0x3: {  	s8 =	rddreg [dreg:$0x2]  }
0x4: {  	s3 =	rddreg [dreg:$0x3]  }
0x5: {  	s5 =	rddreg [dreg:$0x4]  }
0x6: {  	s0 =	rddreg [dreg:$0x5];
	s7 =	srdreg.scid;
	s6 =	simm.s32 $0x0  }
0x7: {  	s4 =	stileid.u32;
	s12 =	simm.s32 $0x2880;
	s13 =	simm.s32 $0x1  }
0x8: {  	s14 =	simm.s32 $0x2;
	s15 =	simm.s32 $0x80;
	s16 =	simm.s32 $0x50  }
.Ltmp0:
0x9: {  	s17 =	simm.s32 $0x0;
	s7 =	sand.u32 $0x1, s7;
	(pc) =	sbr.rel .LBB2_1-.Ltmp0, $4  }
0xa: {  	[smem:$0x7FF] =	sst s6;
	s9 =	sshll.u32 s4, $0x8;
	s10 =	ssub.s32 $0x2, s7  }
0xb: {  	s31 =	sshll.u32 s4, $0xB;
	_ =	strace $0x8000004A;
	s30 =	sshrl.u32 s10, $0x1  }
0xc: {  	s9 =	sadd.s32 s9, s8;
	s8 =	sshll.u32 s4, $0x1;
	s11 =	ssub.s32 s10, s30  }
0xd: {  	s9 =	sadd.s32 $0x1000, s9;
	s10 =	sadd.s32 s31, s5;
	s11 =	smax.u32 s11, $0x1  }
.LBB2_7:
0xe: {  	s17 =	sadd.s32 $0x1, s17  }
0xf: {  	p0 =	sne.s32 s17, s11  }
.Ltmp1:
0x10: {  	_ = 	snop;
	(pc) =	sbr.rel @!p0 .LBB2_8-.Ltmp1, $1  }
0x11: {  	_ =	sdelay $0x3  }
.LBB2_1:
0x12: {  	[tilespmem:s12], [sflag:$0x1] =	stream.linear.gather [hbm4b:s9+s6], $0x800, $0x38;
	[tilespmem:$0x5880] =	vst v63  }
0x13: {  	_ =	swait.ge [sflag:s13], $0x800  }
0x14: {  	[sflag:s13] =	ssyncset.done $0x0  }
0x15: {  	[sflag:s13] =	ssyncadd.s32 $0xFFFFF800  }
0x16: {  	[spmem:s10] =	stream.linear.scatter [tilespmem:s12], [sflag:$0x1], $0x800, $0x38;
	[tilespmem:$0x5880] =	vst v63  }
.Ltmp2:
0x17: {  	_ =	swait.ge [sflag:s13], $0x800;
	(pc) =	sbr.rel .LBB2_2-.Ltmp2, $4  }
0x18: {  	[sflag:s13] =	ssyncset.done $0x0  }
0x19: {  	[sflag:s13] =	ssyncadd.s32 $0xFFFFF800  }
0x1a: {  	[bflag:$0x0] =	sbarrier.arrive $0xFFFF  }
0x1b: {  	s18 =	simm.s32 $0x0  }
.LBB2_6:
0x1c: {  	s18 =	sadd.s32 $0x1, s18  }
0x1d: {  	p0 =	sne.s32 s18, $0x28  }
.Ltmp3:
0x1e: {  	_ = 	snop;
	(pc) =	sbr.rel @!p0 .LBB2_7-.Ltmp3, $1  }
0x1f: {  	_ =	sdelay $0x3  }
.LBB2_2:
0x20: {  	s19 =	sshll.u32 s18, $0x5  }
0x21: {  	s19 =	sor.u32 s8, s19  }
0x22: {  	p0 =	sgt.u32 s19, $0x4E1  }
.Ltmp4:
0x23: {  	_ = 	snop;
	(pc) =	sbr.rel @p0 .LBB2_6-.Ltmp4, $1  }
0x24: {  	_ =	sdelay $0x3  }
0x25: {  	s19 =	sor.u32 s7, s19  }
0x26: {  	s20 =	smul.u32 $0xA, s19;
	_ =	sdelay $0x1  }
0x27: {  	s21 =	simm.s32 $0x0;
	s20 =	sadd.s32 s2, s20  }
0x28: {  	[tilespmem:s21], [sflag:$0x2] =	stream.linear.gather [hbm4b:s20+s21], $0x50, $0x38;
	[tilespmem:$0x5880] =	vst v63  }
0x29: {  	s19 =	smul.u32 $0x500, s19;
	_ =	swait.ge [sflag:s14], $0x50  }
0x2a: {  	[sflag:s14] =	ssyncset.done $0x0  }
0x2b: {  	s31 =	sadd.s32 s1, s19;
	[sflag:s14] =	ssyncadd.s32 $0xFFFFFFB0  }
0x2c: {  	[tilespmem:s15], [sflag:$0x2] =	stream.linear.gather [hbm4b:s31+s21], $0x2800, $0x38;
	[tilespmem:$0x5880] =	vst v63  }
0x2d: {  	_ =	swait.ge [sflag:s14], $0x2800  }
0x2e: {  	[sflag:s14] =	ssyncset.done $0x0  }
0x2f: {  	[sflag:s14] =	ssyncadd.s32 $0xFFFFD800  }
0x30: {  	[tilespmem:s12], [sflag:$0x2] =	stream.indirect.gather [spmem:s5], $0x80, s21, s16, $0xb8;
	[tilespmem:$0x5880] =	vst v63  }
0x31: {  	_ =	swait.ge [sflag:s14], $0x2800  }
0x32: {  	[sflag:s14] =	ssyncset.done $0x0  }
0x33: {  	s20 =	simm.s32 $0x0;
	[sflag:s14] =	ssyncadd.s32 $0xFFFFD800  }
0x34: {  	v7 =	vld [tilespmem:s20+$0x80]  }
0x35: {  	v11 =	vld [tilespmem:s20+$0x90]  }
0x36: {  	v5 =	vld [tilespmem:s20+$0xA0]  }
0x37: {  	v4 =	vld [tilespmem:s20+$0xB0]  }
0x38: {  	v3 =	vld [tilespmem:s20+$0xC0]  }
0x39: {  	v2 =	vld [tilespmem:s20+$0xD0]  }
0x3a: {  	v1 =	vld [tilespmem:s20+$0xE0]  }
0x3b: {  	v0 =	vld [tilespmem:s20+$0xF0]  }
0x3c: {  	v12 =	vld [tilespmem:s20+$0x2880]  }
0x3d: {  	v13 =	vld [tilespmem:s20+$0x2890]  }
0x3e: {  	v10 =	vld [tilespmem:s20+$0x28A0]  }
0x3f: {  	v9 =	vld [tilespmem:s20+$0x28B0]  }
0x40: {  	v8 =	vld [tilespmem:s20+$0x28C0]  }
0x41: {  	v6 =	vld [tilespmem:s20+$0x28D0];
	v12 =	vadd.f32 v7, v12  }
0x42: {  	s21 =	simm.s32 $0x200;
	v11 =	vadd.f32 v11, v13;
	v7 =	vld [tilespmem:s20+$0x28E0]  }
.LBB2_4:
0x43: {  	s22 =	sshra.s32 s21, $0x2;
	p0 =	sne.s32 s21, $0x9E00;
	[tilespmem:s20+$0x2880] =	vst v12;
	v5 =	vadd.f32 v5, v10;
	v10 =	vld [tilespmem:s20+$0x28F0]  }
0x44: {  	v12 =	vld [tilespmem:s22+$0x80];
	[tilespmem:s20+$0x2890] =	vst v11;
	v4 =	vadd.f32 v4, v9  }
0x45: {  	v11 =	vld [tilespmem:s22+$0x90];
	[tilespmem:s20+$0x28A0] =	vst v5;
	v3 =	vadd.f32 v3, v8  }
0x46: {  	v5 =	vld [tilespmem:s22+$0xA0];
	[tilespmem:s20+$0x28B0] =	vst v4;
	v2 =	vadd.f32 v2, v6  }
0x47: {  	v4 =	vld [tilespmem:s22+$0xB0];
	[tilespmem:s20+$0x28C0] =	vst v3;
	v1 =	vadd.f32 v1, v7  }
0x48: {  	v3 =	vld [tilespmem:s22+$0xC0];
	[tilespmem:s20+$0x28D0] =	vst v2;
	v0 =	vadd.f32 v0, v10  }
0x49: {  	v2 =	vld [tilespmem:s22+$0xD0];
	[tilespmem:s20+$0x28E0] =	vst v1  }
0x4a: {  	v1 =	vld [tilespmem:s22+$0xE0];
	[tilespmem:s20+$0x28F0] =	vst v0;
	s20 =	smov.u32 s22  }
0x4b: {  	v0 =	vld [tilespmem:s20+$0xF0]  }
0x4c: {  	v6 =	vld [tilespmem:s20+$0x2880]  }
0x4d: {  	v7 =	vld [tilespmem:s20+$0x2890]  }
.Ltmp5:
0x4e: {  	v10 =	vld [tilespmem:s20+$0x28A0];
	(pc) =	sbr.rel @p0 .LBB2_4-.Ltmp5, $4  }
0x4f: {  	v9 =	vld [tilespmem:s20+$0x28B0]  }
0x50: {  	v8 =	vld [tilespmem:s20+$0x28C0]  }
0x51: {  	v12 =	vadd.f32 v12, v6;
	v6 =	vld [tilespmem:s20+$0x28D0]  }
0x52: {  	s21 =	sadd.s32 $0x200, s21;
	v11 =	vadd.f32 v11, v7;
	v7 =	vld [tilespmem:s20+$0x28E0]  }
0x53: {  	[tilespmem:s20+$0x2880] =	vst v12;
	v5 =	vadd.f32 v5, v10;
	v63 =	vld [tilespmem:s20+$0x28F0]  }
0x54: {  	[tilespmem:s20+$0x2890] =	vst v11;
	v4 =	vadd.f32 v4, v9  }
0x55: {  	[tilespmem:s20+$0x28A0] =	vst v5;
	v3 =	vadd.f32 v3, v8  }
0x56: {  	[tilespmem:s20+$0x28B0] =	vst v4;
	v2 =	vadd.f32 v2, v6  }
0x57: {  	[tilespmem:s20+$0x28C0] =	vst v3;
	v1 =	vadd.f32 v1, v7  }
0x58: {  	[tilespmem:s20+$0x28D0] =	vst v2;
	v0 =	vadd.f32 v0, v63  }
0x59: {  	[tilespmem:s20+$0x28E0] =	vst v1  }
.Ltmp6:
0x5a: {  	s19 =	sadd.s32 s3, s19;
	[tilespmem:s20+$0x28F0] =	vst v0;
	(pc) =	sbr.rel .LBB2_6-.Ltmp6, $4  }
0x5b: {  	[hbm4b:s19+s6] =	stream.linear.scatter [tilespmem:s12], [sflag:$0x1], $0x2800, $0x38;
	[tilespmem:$0x5880] =	vst v63  }
0x5c: {  	_ =	swait.ge [sflag:s13], $0x2800  }
0x5d: {  	[sflag:s13] =	ssyncset.done $0x0  }
0x5e: {  	[sflag:s13] =	ssyncadd.s32 $0xFFFFD800  }
.LBB2_8:
0x5f: {  	_ =	sfence.sel $0x180000  }
0x60: {  	[bflag:$0x0] =	sbarrier.arrive $0xFFFF  }
0x61: {  	p0 =	sne.s32 s4, $0x0;
	_ =	strace $0x9000004A  }
0x62: {  	s0 =	sadd.s32 @!p0 $0x100000, s0;
	[bflag:$0x2] =	sbarrier.arrive $0xFFFF  }
0x63: {  	[sflag:s0] =	ssyncadd.tile.s32 @!p0 $0x1;
	_ =	shalt  }
.Lfunc_end2:
_tile_overlayer_lowered:
.L_overlay_start_2:
0x64: {  	(tag) =	ssettag $0x2  }
0x65: {  	s0 =	rddreg [dreg:$0x0];
	s2 =	stileid.u32  }
0x66: {  	s1 =	rddreg [dreg:$0x1];
	p0 =	sne.s32 s2, $0x0  }
0x67: {  	s3 =	rddreg [dreg:$0x2];
	[bflag:$0x3] =	sbarrier.arrive $0xFFFF;
	s2 =	simm.s32 @!p0 $0x1C01  }
0x68: {  	[timem:s3], [sflag:s2] =	dma.local @!p0 [hbm:s0], s1  }
0x69: {  	s0 =	simm.s32 @!p0 $0x1  }
0x6a: {  	_ =	swait.ge @!p0 [sflag:s0], s1  }
0x6b: {  	s1 =	ssub.s32 @!p0 $0x0, s1;
	[sflag:s0] =	ssyncset.done @!p0 $0x0  }
0x6c: {  	[sflag:s0] =	ssyncadd.s32 @!p0 s1  }
0x6d: {  	[bflag:$0x3] =	sbarrier.arrive $0xFFFF  }
0x6e: {  	_ =	shalt  }

</sc_bundles>
